<compile_context>
chip_gen: v7x
topology: tpu7x:2x2x1
jax: 0.10.2.dev20260603
libtpu: 0.0.44.dev20260713+nightly
codegen_flags: <defaults>
</compile_context>

<pallas_src>
import functools

import jax
import jax.numpy as jnp
from jax import lax
from jax.experimental import pallas as pl
from jax.experimental.pallas import tpu as pltpu
from jax.experimental.pallas import tpu_sc as plsc

N = 10000
D = 128
HIDDEN = 256
E = 320000

NC = 2
NS = 16
NW = NC * NS
EPW = E // NW
CHUNK = 80
NCHUNK = EPW // CHUNK
N_PAD = 10240
ROWS_PT = N_PAD // NS
NRCHUNK = ROWS_PT // CHUNK

_mesh = plsc.VectorSubcoreMesh(core_axis_name="c", subcore_axis_name="s")


@functools.partial(
    pl.kernel,
    out_type=jax.ShapeDtypeStruct((NC, N), jnp.float32),
    mesh=_mesh,
    scratch_types=[
        pltpu.VMEM((NCHUNK, CHUNK), jnp.int32),
        pltpu.VMEM((CHUNK,), jnp.float32),
        pltpu.VMEM((N,), jnp.float32),
        pltpu.VMEM_SHARED((N,), jnp.float32),
        pltpu.SemaphoreType.DMA,
    ],
)
def _deg_hist(dst_hbm, degp_hbm, idx_v, ones_v, stage_v, hist_sh, sem):
    c = lax.axis_index("c")
    s = lax.axis_index("s")
    w = c * NS + s

    @pl.loop(0, CHUNK, step=16)
    def _(i):
        ones_v[pl.ds(i, 16)] = jnp.ones((16,), jnp.float32)

    @pl.when(s == 0)
    def _():
        @pl.loop(0, N, step=16)
        def _(i):
            stage_v[pl.ds(i, 16)] = jnp.zeros((16,), jnp.float32)

        pltpu.sync_copy(stage_v, hist_sh)

    plsc.subcore_barrier()

    pltpu.async_copy(dst_hbm.at[w], idx_v, sem).wait()

    @pl.loop(0, NCHUNK)
    def _(j):
        pltpu.sync_copy(ones_v, hist_sh.at[idx_v.at[j]], add=True)

    plsc.subcore_barrier()

    @pl.when(s == 0)
    def _():
        pltpu.sync_copy(hist_sh, stage_v)
        pltpu.sync_copy(stage_v, degp_hbm.at[c])


@functools.partial(
    pl.kernel,
    out_type=jax.ShapeDtypeStruct((NC, N_PAD, D), jnp.float32),
    mesh=_mesh,
    scratch_types=[
        pltpu.VMEM((NCHUNK, CHUNK), jnp.int32),
        pltpu.VMEM((NCHUNK, CHUNK), jnp.int32),
        pltpu.VMEM((CHUNK, D), jnp.float32),
        pltpu.VMEM_SHARED((N_PAD, D), jnp.float32),
        pltpu.SemaphoreType.DMA,
        pltpu.SemaphoreType.DMA,
    ],
)
def _edge_scatter(y_hbm, src_hbm, dst_hbm, accp_hbm,
                  src_v, dst_v, rows_v, acc_sh, sem0, sem1):
    c = lax.axis_index("c")
    s = lax.axis_index("s")
    w = c * NS + s

    pltpu.async_copy(src_hbm.at[w], src_v, sem0)
    pltpu.async_copy(dst_hbm.at[w], dst_v, sem1)

    @pl.loop(0, CHUNK)
    def _(r):
        @pl.loop(0, D, step=16)
        def _(i):
            rows_v[r, pl.ds(i, 16)] = jnp.zeros((16,), jnp.float32)

    @pl.loop(0, NRCHUNK)
    def _(k):
        pltpu.sync_copy(rows_v, acc_sh.at[pl.ds(s * ROWS_PT + k * CHUNK, CHUNK)])

    pltpu.make_async_copy(src_hbm.at[w], src_v, sem0).wait()
    pltpu.make_async_copy(dst_hbm.at[w], dst_v, sem1).wait()

    plsc.subcore_barrier()

    @pl.loop(0, NCHUNK)
    def _(j):
        pltpu.sync_copy(y_hbm.at[src_v.at[j]], rows_v)
        pltpu.sync_copy(rows_v, acc_sh.at[dst_v.at[j]], add=True)

    plsc.subcore_barrier()

    @pl.loop(0, NRCHUNK)
    def _(k):
        base = s * ROWS_PT + k * CHUNK
        pltpu.sync_copy(acc_sh.at[pl.ds(base, CHUNK)], rows_v)
        pltpu.sync_copy(rows_v, accp_hbm.at[c].at[pl.ds(base, CHUNK)])


def _mlp_body(x_ref, w1t_ref, b1_ref, w2t_ref, degp_ref, y_ref):
    h = jnp.dot(x_ref[...], w1t_ref[...], preferred_element_type=jnp.float32)
    h = jnp.maximum(h + b1_ref[...], 0.0)
    x2 = jnp.dot(h, w2t_ref[...], preferred_element_type=jnp.float32)
    dinv = lax.rsqrt(degp_ref[0] + degp_ref[1] + 1.0)
    y_ref[...] = x2 * dinv


def _mlp(x, w1t, b1, w2t, degp):
    return pl.pallas_call(
        _mlp_body,
        out_shape=jax.ShapeDtypeStruct((N, D), jnp.float32),
    )(x, w1t, b1, w2t, degp)


def _finish_body(accp_ref, y_ref, degp_ref, b2_ref, out_ref):
    dinv = lax.rsqrt(degp_ref[0] + degp_ref[1] + 1.0)
    acc = accp_ref[0, 0:N, :] + accp_ref[1, 0:N, :]
    out_ref[...] = dinv * (acc + y_ref[...]) + b2_ref[...]


def _finish(accp, y, degp, b2):
    return pl.pallas_call(
        _finish_body,
        out_shape=jax.ShapeDtypeStruct((N, D), jnp.float32),
    )(accp, y, degp, b2)


def kernel(node_features, edge_index, W1, b1, W2, b2):
    src = edge_index[0].astype(jnp.int32).reshape(NW, NCHUNK, CHUNK)
    dst = edge_index[1].astype(jnp.int32).reshape(NW, NCHUNK, CHUNK)

    degp = _deg_hist(dst)
    degp3 = degp.reshape(NC, N, 1)

    y = _mlp(node_features, W1.T, b1.reshape(1, HIDDEN), W2.T, degp3)

    accp = _edge_scatter(y, src, dst)

    return _finish(accp, y, degp3, b2.reshape(1, D))

# --- scband reference (transcript-rebuilt; emitter-appended) ---
"""Pipeline reference for scband-gcnconv-model-59399397704019 (READ-ONLY COPY).

The authoritative reference and input builder live on the scoring server;
editing this copy changes nothing except your own understanding.
"""

import jax, jax.numpy as jnp
import numpy as np

N_NODES = 10000
IN_CH = 128
HID = 2 * IN_CH
OUT_CH = 128
N_EDGES = 320000


def setup_inputs(seed: int = 0) -> dict:
    key = jax.random.key(seed)
    k1, k2, k3, k4, k5, k6 = jax.random.split(key, 6)
    node_features = jax.random.normal(k1, (N_NODES, IN_CH), dtype=jnp.float32)
    edge_index = jax.random.randint(k2, (2, N_EDGES), 0, N_NODES, dtype=jnp.int64)
    # fc: Linear(in_channels, 2*in_channels)
    lim1 = 1.0 / np.sqrt(IN_CH)
    W1 = jax.random.uniform(k3, (HID, IN_CH), minval=-lim1, maxval=lim1, dtype=jnp.float32)
    b1 = jax.random.uniform(k4, (HID,), minval=-lim1, maxval=lim1, dtype=jnp.float32)
    # GCNConv(2*in_channels, out_channels): weight [out, in] + bias [out]
    lim2 = 1.0 / np.sqrt(HID)
    W2 = jax.random.uniform(k5, (OUT_CH, HID), minval=-lim2, maxval=lim2, dtype=jnp.float32)
    b2 = jnp.zeros((OUT_CH,), dtype=jnp.float32)
    return {"node_features": node_features, "edge_index": edge_index, "W1": W1, "b1": b1, "W2": W2, "b2": b2}


def _gcn_conv(x, edge_index, W, b):
    # PyG GCNConv: add self-loops, symmetric normalization, linear transform, sum-aggregate
    n = x.shape[0]
    src = edge_index[0]
    dst = edge_index[1]
    loop = jnp.arange(n, dtype=edge_index.dtype)
    src = jnp.concatenate([src, loop])
    dst = jnp.concatenate([dst, loop])
    x = x @ W.T
    deg = jnp.zeros((n,), dtype=x.dtype).at[dst].add(1.0)
    deg_inv_sqrt = jnp.where(deg > 0, jax.lax.rsqrt(jnp.maximum(deg, 1e-12)), 0.0)
    norm = deg_inv_sqrt[src] * deg_inv_sqrt[dst]
    msg = x[src] * norm[:, None]
    out = jnp.zeros((n, x.shape[1]), dtype=x.dtype).at[dst].add(msg)
    return out + b


def reference(node_features, edge_index, W1, b1, W2, b2):
    h = jax.nn.relu(node_features @ W1.T + b1)
    out = _gcn_conv(h, edge_index, W2, b2)
    return out

if __name__ == "__main__":
    import jax
    _d = setup_inputs()
    print(jax.jit(kernel)(*tuple(_d.values())))

</pallas_src>

<mosaic_0001>
#map = affine_map<(d0, d1) -> (0, 0, 0)>
#map1 = affine_map<(d0, d1) -> (0, 0)>
module attributes {stable_mosaic.version = 14 : i64} {
  func.func @_deg_hist(%arg0: i32, %arg1: i32, %arg2: memref<32x125x80xi32, #tpu.memory_space<hbm>>, %arg3: memref<2x10000xf32, #tpu.memory_space<hbm>>, %arg4: memref<125x80xi32, #tpu.memory_space<vmem>>, %arg5: memref<80xf32, #tpu.memory_space<vmem>>, %arg6: memref<10000xf32, #tpu.memory_space<vmem>>, %arg7: memref<10000xf32, #tpu.memory_space<vmem_shared>>, %arg8: memref<!tpu.dma_semaphore, #tpu.memory_space<semaphore_mem>>) attributes {dimension_semantics = [#tpu.dimension_semantics<core_parallel>, #tpu.dimension_semantics<subcore_parallel>], iteration_bounds = array<i64: 2, 16>, scalar_prefetch = 0 : i64, scratch_operands = 5 : i64, tpu.core_type = #tpu.core_type<sc_vector_subcore>, window_params = [{transform_indices = #map}, {transform_indices = #map1}]} {
    %mul3A = arith.constant 16 : i32
    %mul3A_0 = arith.muli %arg0, %mul3A : i32
    %add3A = arith.addi %mul3A_0, %arg1 : i32
    %scan3A = arith.constant 0 : i32
    %scan3A_1 = arith.constant 5 : i32
    %scan3A_2 = arith.addi %scan3A, %scan3A_1 : i32
    %scan3A_3 = arith.constant 1 : i32
    scf.for %scan3A_32 = %scan3A to %scan3A_2 step %scan3A_3  : i32 {
      %mul3A_33 = arith.constant 16 : i32
      %mul3A_34 = arith.muli %scan3A_32, %mul3A_33 : i32
      %add3A_35 = arith.constant 0 : i32
      %add3A_36 = arith.addi %add3A_35, %mul3A_34 : i32
      %broadcast_in_dim3A = arith.constant 1.000000e+00 : f32
      %broadcast_in_dim3A_37 = vector.broadcast %broadcast_in_dim3A : f32 to vector<16xf32>
      %swap3A = arith.index_cast %add3A_36 : i32 to index
      %swap3A_38 = tpu.vector_load %arg5[%swap3A] {strides = array<i32>} : memref<80xf32, #tpu.memory_space<vmem>>, vector<16xf32>,
      %swap3A_39 = vector.shape_cast %swap3A_38 : vector<16xf32> to vector<16xf32>
      %swap3A_40 = vector.shape_cast %broadcast_in_dim3A_37 : vector<16xf32> to vector<16xf32>
      tpu.vector_store %arg5[%swap3A], %swap3A_40 {strides = array<i32>} : memref<80xf32, #tpu.memory_space<vmem>>, vector<16xf32>,
    }
    %scan3A_4 = arith.constant 5 : i32
    %eq3A = arith.constant 0 : i32
    %eq3A_5 = arith.cmpi eq, %arg1, %eq3A : i32
    %convert_element_type3A = arith.extui %eq3A_5 : i1 to i32
    %cond3A = arith.constant 0 : i32
    %cond3A_6 = arith.cmpi ne, %convert_element_type3A, %cond3A : i32
    scf.if %cond3A_6 {
      %scan3A_32 = arith.constant 0 : i32
      %scan3A_33 = arith.constant 625 : i32
      %scan3A_34 = arith.addi %scan3A_32, %scan3A_33 : i32
      %scan3A_35 = arith.constant 1 : i32
      scf.for %scan3A_37 = %scan3A_32 to %scan3A_34 step %scan3A_35  : i32 {
        %mul3A_38 = arith.constant 16 : i32
        %mul3A_39 = arith.muli %scan3A_37, %mul3A_38 : i32
        %add3A_40 = arith.constant 0 : i32
        %add3A_41 = arith.addi %add3A_40, %mul3A_39 : i32
        %broadcast_in_dim3A = arith.constant 0.000000e+00 : f32
        %broadcast_in_dim3A_42 = vector.broadcast %broadcast_in_dim3A : f32 to vector<16xf32>
        %swap3A = arith.index_cast %add3A_41 : i32 to index
        %swap3A_43 = tpu.vector_load %arg6[%swap3A] {strides = array<i32>} : memref<10000xf32, #tpu.memory_space<vmem>>, vector<16xf32>,
        %swap3A_44 = vector.shape_cast %swap3A_43 : vector<16xf32> to vector<16xf32>
        %swap3A_45 = vector.shape_cast %broadcast_in_dim3A_42 : vector<16xf32> to vector<16xf32>
        tpu.vector_store %arg6[%swap3A], %swap3A_45 {strides = array<i32>} : memref<10000xf32, #tpu.memory_space<vmem>>, vector<16xf32>,
      }
      %scan3A_36 = arith.constant 625 : i32
      "tpu.region"() ({
        %run_scoped3A = tpu.sem_alloc : memref<!tpu.dma_semaphore, #tpu.memory_space<semaphore_mem>>
        tpu.enqueue_dma source(%arg6 : memref<10000xf32, #tpu.memory_space<vmem>>) target(%arg7 : memref<10000xf32, #tpu.memory_space<vmem_shared>>) target_semaphore(%run_scoped3A : memref<!tpu.dma_semaphore, #tpu.memory_space<semaphore_mem>>)
        tpu.wait_dma2 semaphore(%run_scoped3A : memref<!tpu.dma_semaphore, #tpu.memory_space<semaphore_mem>>) src(%arg6 : memref<10000xf32, #tpu.memory_space<vmem>>) dst(%arg7 : memref<10000xf32, #tpu.memory_space<vmem_shared>>)
        tpu.yield
      }) : () -> ()
    } else {
    }
    %barrier3A = arith.constant 0 : index
    tpu.barrier barrier_id(%barrier3A)
    %dma_start3A = arith.constant 0 : i32
    %dma_start3A_7 = arith.constant 0 : i32
    %dma_start3A_8 = tpu.memref_slice %arg2[%add3A, %dma_start3A, %dma_start3A_7] : memref<32x125x80xi32, #tpu.memory_space<hbm>> -> memref<1x125x80xi32, #tpu.memory_space<hbm>>
    %dma_start3A_9 = tpu.memref_squeeze %dma_start3A_8 : memref<1x125x80xi32, #tpu.memory_space<hbm>> -> memref<125x80xi32, #tpu.memory_space<hbm>>
    %dma_start3A_10 = arith.constant 0 : i32
    %dma_start3A_11 = arith.constant 0 : i32
    %dma_start3A_12 = tpu.memref_slice %arg2[%add3A, %dma_start3A_10, %dma_start3A_11] : memref<32x125x80xi32, #tpu.memory_space<hbm>> -> memref<1x125x80xi32, #tpu.memory_space<hbm>>
    %dma_start3A_13 = tpu.memref_squeeze %dma_start3A_12 : memref<1x125x80xi32, #tpu.memory_space<hbm>> -> memref<125x80xi32, #tpu.memory_space<hbm>>
    tpu.enqueue_dma source(%dma_start3A_13 : memref<125x80xi32, #tpu.memory_space<hbm>>) target(%arg4 : memref<125x80xi32, #tpu.memory_space<vmem>>) target_semaphore(%arg8 : memref<!tpu.dma_semaphore, #tpu.memory_space<semaphore_mem>>)
    %dma_wait3A = arith.constant 0 : i32
    %dma_wait3A_14 = arith.constant 0 : i32
    %dma_wait3A_15 = tpu.memref_slice %arg2[%add3A, %dma_wait3A, %dma_wait3A_14] : memref<32x125x80xi32, #tpu.memory_space<hbm>> -> memref<1x125x80xi32, #tpu.memory_space<hbm>>
    %dma_wait3A_16 = tpu.memref_squeeze %dma_wait3A_15 : memref<1x125x80xi32, #tpu.memory_space<hbm>> -> memref<125x80xi32, #tpu.memory_space<hbm>>
    %dma_wait3A_17 = arith.constant 0 : i32
    %dma_wait3A_18 = arith.constant 0 : i32
    %dma_wait3A_19 = tpu.memref_slice %arg2[%add3A, %dma_wait3A_17, %dma_wait3A_18] : memref<32x125x80xi32, #tpu.memory_space<hbm>> -> memref<1x125x80xi32, #tpu.memory_space<hbm>>
    %dma_wait3A_20 = tpu.memref_squeeze %dma_wait3A_19 : memref<1x125x80xi32, #tpu.memory_space<hbm>> -> memref<125x80xi32, #tpu.memory_space<hbm>>
    tpu.wait_dma2 semaphore(%arg8 : memref<!tpu.dma_semaphore, #tpu.memory_space<semaphore_mem>>) src(%dma_wait3A_20 : memref<125x80xi32, #tpu.memory_space<hbm>>) dst(%arg4 : memref<125x80xi32, #tpu.memory_space<vmem>>)
    %scan3A_21 = arith.constant 0 : i32
    %scan3A_22 = arith.constant 125 : i32
    %scan3A_23 = arith.addi %scan3A_21, %scan3A_22 : i32
    %scan3A_24 = arith.constant 1 : i32
    scf.for %scan3A_32 = %scan3A_21 to %scan3A_23 step %scan3A_24  : i32 {
      %mul3A_33 = arith.constant 1 : i32
      %mul3A_34 = arith.muli %scan3A_32, %mul3A_33 : i32
      %add3A_35 = arith.constant 0 : i32
      %add3A_36 = arith.addi %add3A_35, %mul3A_34 : i32
      "tpu.region"() ({
        %run_scoped3A = tpu.sem_alloc : memref<!tpu.dma_semaphore, #tpu.memory_space<semaphore_mem>>
        %dma_start3A_37 = arith.constant 0 : i32
        %dma_start3A_38 = tpu.memref_slice %arg4[%add3A_36, %dma_start3A_37] : memref<125x80xi32, #tpu.memory_space<vmem>> -> memref<1x80xi32, #tpu.memory_space<vmem>>
        %dma_start3A_39 = tpu.memref_squeeze %dma_start3A_38 : memref<1x80xi32, #tpu.memory_space<vmem>> -> memref<80xi32, #tpu.memory_space<vmem>>
        %dma_start3A_40 = arith.constant 0 : i32
        %dma_start3A_41 = tpu.memref_slice %arg7[%dma_start3A_40] : memref<10000xf32, #tpu.memory_space<vmem_shared>> -> memref<10000xf32, #tpu.memory_space<vmem_shared>>
        tpu.enqueue_indirect_dma source(%arg5 : memref<80xf32, #tpu.memory_space<vmem>>) target(%dma_start3A_41 : memref<10000xf32, #tpu.memory_space<vmem_shared>>) offsets(%dma_start3A_39 : memref<80xi32, #tpu.memory_space<vmem>>) semaphore(%run_scoped3A : memref<!tpu.dma_semaphore, #tpu.memory_space<semaphore_mem>>) {add = true}
        %dma_wait3A_42 = arith.constant 0 : i32
        %dma_wait3A_43 = tpu.memref_slice %arg4[%add3A_36, %dma_wait3A_42] : memref<125x80xi32, #tpu.memory_space<vmem>> -> memref<1x80xi32, #tpu.memory_space<vmem>>
        %dma_wait3A_44 = tpu.memref_squeeze %dma_wait3A_43 : memref<1x80xi32, #tpu.memory_space<vmem>> -> memref<80xi32, #tpu.memory_space<vmem>>
        %dma_wait3A_45 = arith.constant 0 : i32
        %dma_wait3A_46 = tpu.memref_slice %arg7[%dma_wait3A_45] : memref<10000xf32, #tpu.memory_space<vmem_shared>> -> memref<10000xf32, #tpu.memory_space<vmem_shared>>
        tpu.wait_indirect_dma semaphore(%run_scoped3A : memref<!tpu.dma_semaphore, #tpu.memory_space<semaphore_mem>>) src(%arg5 : memref<80xf32, #tpu.memory_space<vmem>>) dst(%dma_wait3A_46 : memref<10000xf32, #tpu.memory_space<vmem_shared>>)
        tpu.yield
      }) : () -> ()
    }
    %scan3A_25 = arith.constant 125 : i32
    %barrier3A_26 = arith.constant 0 : index
    tpu.barrier barrier_id(%barrier3A_26)
    %eq3A_27 = arith.constant 0 : i32
    %eq3A_28 = arith.cmpi eq, %arg1, %eq3A_27 : i32
    %convert_element_type3A_29 = arith.extui %eq3A_28 : i1 to i32
    %cond3A_30 = arith.constant 0 : i32
    %cond3A_31 = arith.cmpi ne, %convert_element_type3A_29, %cond3A_30 : i32
    scf.if %cond3A_31 {
      "tpu.region"() ({
        %run_scoped3A = tpu.sem_alloc : memref<!tpu.dma_semaphore, #tpu.memory_space<semaphore_mem>>
        tpu.enqueue_dma source(%arg7 : memref<10000xf32, #tpu.memory_space<vmem_shared>>) target(%arg6 : memref<10000xf32, #tpu.memory_space<vmem>>) target_semaphore(%run_scoped3A : memref<!tpu.dma_semaphore, #tpu.memory_space<semaphore_mem>>)
        tpu.wait_dma2 semaphore(%run_scoped3A : memref<!tpu.dma_semaphore, #tpu.memory_space<semaphore_mem>>) src(%arg7 : memref<10000xf32, #tpu.memory_space<vmem_shared>>) dst(%arg6 : memref<10000xf32, #tpu.memory_space<vmem>>)
        tpu.yield
      }) : () -> ()
      "tpu.region"() ({
        %run_scoped3A = tpu.sem_alloc : memref<!tpu.dma_semaphore, #tpu.memory_space<semaphore_mem>>
        %dma_start3A_32 = arith.constant 0 : i32
        %dma_start3A_33 = tpu.memref_slice %arg3[%arg0, %dma_start3A_32] : memref<2x10000xf32, #tpu.memory_space<hbm>> -> memref<1x10000xf32, #tpu.memory_space<hbm>>
        %dma_start3A_34 = tpu.memref_squeeze %dma_start3A_33 : memref<1x10000xf32, #tpu.memory_space<hbm>> -> memref<10000xf32, #tpu.memory_space<hbm>>
        %dma_start3A_35 = arith.constant 0 : i32
        %dma_start3A_36 = tpu.memref_slice %arg3[%arg0, %dma_start3A_35] : memref<2x10000xf32, #tpu.memory_space<hbm>> -> memref<1x10000xf32, #tpu.memory_space<hbm>>
        %dma_start3A_37 = tpu.memref_squeeze %dma_start3A_36 : memref<1x10000xf32, #tpu.memory_space<hbm>> -> memref<10000xf32, #tpu.memory_space<hbm>>
        tpu.enqueue_dma source(%arg6 : memref<10000xf32, #tpu.memory_space<vmem>>) target(%dma_start3A_37 : memref<10000xf32, #tpu.memory_space<hbm>>) target_semaphore(%run_scoped3A : memref<!tpu.dma_semaphore, #tpu.memory_space<semaphore_mem>>)
        %dma_wait3A_38 = arith.constant 0 : i32
        %dma_wait3A_39 = tpu.memref_slice %arg3[%arg0, %dma_wait3A_38] : memref<2x10000xf32, #tpu.memory_space<hbm>> -> memref<1x10000xf32, #tpu.memory_space<hbm>>
        %dma_wait3A_40 = tpu.memref_squeeze %dma_wait3A_39 : memref<1x10000xf32, #tpu.memory_space<hbm>> -> memref<10000xf32, #tpu.memory_space<hbm>>
        %dma_wait3A_41 = arith.constant 0 : i32
        %dma_wait3A_42 = tpu.memref_slice %arg3[%arg0, %dma_wait3A_41] : memref<2x10000xf32, #tpu.memory_space<hbm>> -> memref<1x10000xf32, #tpu.memory_space<hbm>>
        %dma_wait3A_43 = tpu.memref_squeeze %dma_wait3A_42 : memref<1x10000xf32, #tpu.memory_space<hbm>> -> memref<10000xf32, #tpu.memory_space<hbm>>
        tpu.wait_dma2 semaphore(%run_scoped3A : memref<!tpu.dma_semaphore, #tpu.memory_space<semaphore_mem>>) src(%arg6 : memref<10000xf32, #tpu.memory_space<vmem>>) dst(%dma_wait3A_43 : memref<10000xf32, #tpu.memory_space<hbm>>)
        tpu.yield
      }) : () -> ()
    } else {
    }
    return
  }
}

#map = affine_map<(d0, d1) -> (0, 0)>
#map1 = affine_map<(d0, d1) -> (0, 0, 0)>
module attributes {stable_mosaic.version = 14 : i64} {
  func.func @_edge_scatter(%arg0: i32, %arg1: i32, %arg2: memref<10000x128xf32, #tpu.memory_space<hbm>>, %arg3: memref<32x125x80xi32, #tpu.memory_space<hbm>>, %arg4: memref<32x125x80xi32, #tpu.memory_space<hbm>>, %arg5: memref<2x10240x128xf32, #tpu.memory_space<hbm>>, %arg6: memref<125x80xi32, #tpu.memory_space<vmem>>, %arg7: memref<125x80xi32, #tpu.memory_space<vmem>>, %arg8: memref<80x128xf32, #tpu.memory_space<vmem>>, %arg9: memref<10240x128xf32, #tpu.memory_space<vmem_shared>>, %arg10: memref<!tpu.dma_semaphore, #tpu.memory_space<semaphore_mem>>, %arg11: memref<!tpu.dma_semaphore, #tpu.memory_space<semaphore_mem>>) attributes {dimension_semantics = [#tpu.dimension_semantics<core_parallel>, #tpu.dimension_semantics<subcore_parallel>], iteration_bounds = array<i64: 2, 16>, scalar_prefetch = 0 : i64, scratch_operands = 6 : i64, tpu.core_type = #tpu.core_type<sc_vector_subcore>, window_params = [{transform_indices = #map}, {transform_indices = #map1}, {transform_indices = #map1}, {transform_indices = #map1}]} {
    %mul3A = arith.constant 16 : i32
    %mul3A_0 = arith.muli %arg0, %mul3A : i32
    %add3A = arith.addi %mul3A_0, %arg1 : i32
    %dma_start3A = arith.constant 0 : i32
    %dma_start3A_1 = arith.constant 0 : i32
    %dma_start3A_2 = tpu.memref_slice %arg3[%add3A, %dma_start3A, %dma_start3A_1] : memref<32x125x80xi32, #tpu.memory_space<hbm>> -> memref<1x125x80xi32, #tpu.memory_space<hbm>>
    %dma_start3A_3 = tpu.memref_squeeze %dma_start3A_2 : memref<1x125x80xi32, #tpu.memory_space<hbm>> -> memref<125x80xi32, #tpu.memory_space<hbm>>
    %dma_start3A_4 = arith.constant 0 : i32
    %dma_start3A_5 = arith.constant 0 : i32
    %dma_start3A_6 = tpu.memref_slice %arg3[%add3A, %dma_start3A_4, %dma_start3A_5] : memref<32x125x80xi32, #tpu.memory_space<hbm>> -> memref<1x125x80xi32, #tpu.memory_space<hbm>>
    %dma_start3A_7 = tpu.memref_squeeze %dma_start3A_6 : memref<1x125x80xi32, #tpu.memory_space<hbm>> -> memref<125x80xi32, #tpu.memory_space<hbm>>
    tpu.enqueue_dma source(%dma_start3A_7 : memref<125x80xi32, #tpu.memory_space<hbm>>) target(%arg6 : memref<125x80xi32, #tpu.memory_space<vmem>>) target_semaphore(%arg10 : memref<!tpu.dma_semaphore, #tpu.memory_space<semaphore_mem>>)
    %dma_start3A_8 = arith.constant 0 : i32
    %dma_start3A_9 = arith.constant 0 : i32
    %dma_start3A_10 = tpu.memref_slice %arg4[%add3A, %dma_start3A_8, %dma_start3A_9] : memref<32x125x80xi32, #tpu.memory_space<hbm>> -> memref<1x125x80xi32, #tpu.memory_space<hbm>>
    %dma_start3A_11 = tpu.memref_squeeze %dma_start3A_10 : memref<1x125x80xi32, #tpu.memory_space<hbm>> -> memref<125x80xi32, #tpu.memory_space<hbm>>
    %dma_start3A_12 = arith.constant 0 : i32
    %dma_start3A_13 = arith.constant 0 : i32
    %dma_start3A_14 = tpu.memref_slice %arg4[%add3A, %dma_start3A_12, %dma_start3A_13] : memref<32x125x80xi32, #tpu.memory_space<hbm>> -> memref<1x125x80xi32, #tpu.memory_space<hbm>>
    %dma_start3A_15 = tpu.memref_squeeze %dma_start3A_14 : memref<1x125x80xi32, #tpu.memory_space<hbm>> -> memref<125x80xi32, #tpu.memory_space<hbm>>
    tpu.enqueue_dma source(%dma_start3A_15 : memref<125x80xi32, #tpu.memory_space<hbm>>) target(%arg7 : memref<125x80xi32, #tpu.memory_space<vmem>>) target_semaphore(%arg11 : memref<!tpu.dma_semaphore, #tpu.memory_space<semaphore_mem>>)
    %scan3A = arith.constant 0 : i32
    %scan3A_16 = arith.constant 80 : i32
    %scan3A_17 = arith.addi %scan3A, %scan3A_16 : i32
    %scan3A_18 = arith.constant 1 : i32
    scf.for %scan3A_51 = %scan3A to %scan3A_17 step %scan3A_18  : i32 {
      %mul3A_52 = arith.constant 1 : i32
      %mul3A_53 = arith.muli %scan3A_51, %mul3A_52 : i32
      %add3A_54 = arith.constant 0 : i32
      %add3A_55 = arith.addi %add3A_54, %mul3A_53 : i32
      %scan3A_56 = arith.constant 0 : i32
      %scan3A_57 = arith.constant 8 : i32
      %scan3A_58 = arith.addi %scan3A_56, %scan3A_57 : i32
      %scan3A_59 = arith.constant 1 : i32
      scf.for %scan3A_61 = %scan3A_56 to %scan3A_58 step %scan3A_59  : i32 {
        %mul3A_62 = arith.constant 16 : i32
        %mul3A_63 = arith.muli %scan3A_61, %mul3A_62 : i32
        %add3A_64 = arith.constant 0 : i32
        %add3A_65 = arith.addi %add3A_64, %mul3A_63 : i32
        %broadcast_in_dim3A = arith.constant 0.000000e+00 : f32
        %broadcast_in_dim3A_66 = vector.broadcast %broadcast_in_dim3A : f32 to vector<16xf32>
        %swap3A = arith.index_cast %add3A_55 : i32 to index
        %swap3A_67 = arith.index_cast %add3A_65 : i32 to index
        %swap3A_68 = tpu.vector_load %arg8[%swap3A, %swap3A_67] {strides = array<i32>} : memref<80x128xf32, #tpu.memory_space<vmem>>, vector<1x16xf32>,
        %swap3A_69 = vector.shape_cast %swap3A_68 : vector<1x16xf32> to vector<16xf32>
        %swap3A_70 = vector.shape_cast %broadcast_in_dim3A_66 : vector<16xf32> to vector<1x16xf32>
        tpu.vector_store %arg8[%swap3A, %swap3A_67], %swap3A_70 {strides = array<i32>} : memref<80x128xf32, #tpu.memory_space<vmem>>, vector<1x16xf32>,
      }
      %scan3A_60 = arith.constant 8 : i32
    }
    %scan3A_19 = arith.constant 80 : i32
    %scan3A_20 = arith.constant 0 : i32
    %scan3A_21 = arith.constant 8 : i32
    %scan3A_22 = arith.addi %scan3A_20, %scan3A_21 : i32
    %scan3A_23 = arith.constant 1 : i32
    scf.for %scan3A_51 = %scan3A_20 to %scan3A_22 step %scan3A_23  : i32 {
      %mul3A_52 = arith.constant 1 : i32
      %mul3A_53 = arith.muli %scan3A_51, %mul3A_52 : i32
      %add3A_54 = arith.constant 0 : i32
      %add3A_55 = arith.addi %add3A_54, %mul3A_53 : i32
      %mul3A_56 = arith.constant 640 : i32
      %mul3A_57 = arith.muli %arg1, %mul3A_56 : i32
      %mul3A_58 = arith.constant 80 : i32
      %mul3A_59 = arith.muli %add3A_55, %mul3A_58 : i32
      %add3A_60 = arith.addi %mul3A_57, %mul3A_59 : i32
      "tpu.region"() ({
        %run_scoped3A = tpu.sem_alloc : memref<!tpu.dma_semaphore, #tpu.memory_space<semaphore_mem>>
        %dma_start3A_61 = arith.constant 0 : i32
        %dma_start3A_62 = tpu.memref_slice %arg9[%add3A_60, %dma_start3A_61] : memref<10240x128xf32, #tpu.memory_space<vmem_shared>> -> memref<80x128xf32, #tpu.memory_space<vmem_shared>>
        %dma_start3A_63 = arith.constant 0 : i32
        %dma_start3A_64 = tpu.memref_slice %arg9[%add3A_60, %dma_start3A_63] : memref<10240x128xf32, #tpu.memory_space<vmem_shared>> -> memref<80x128xf32, #tpu.memory_space<vmem_shared>>
        tpu.enqueue_dma source(%arg8 : memref<80x128xf32, #tpu.memory_space<vmem>>) target(%dma_start3A_64 : memref<80x128xf32, #tpu.memory_space<vmem_shared>>) target_semaphore(%run_scoped3A : memref<!tpu.dma_semaphore, #tpu.memory_space<semaphore_mem>>)
        %dma_wait3A_65 = arith.constant 0 : i32
        %dma_wait3A_66 = tpu.memref_slice %arg9[%add3A_60, %dma_wait3A_65] : memref<10240x128xf32, #tpu.memory_space<vmem_shared>> -> memref<80x128xf32, #tpu.memory_space<vmem_shared>>
        %dma_wait3A_67 = arith.constant 0 : i32
        %dma_wait3A_68 = tpu.memref_slice %arg9[%add3A_60, %dma_wait3A_67] : memref<10240x128xf32, #tpu.memory_space<vmem_shared>> -> memref<80x128xf32, #tpu.memory_space<vmem_shared>>
        tpu.wait_dma2 semaphore(%run_scoped3A : memref<!tpu.dma_semaphore, #tpu.memory_space<semaphore_mem>>) src(%arg8 : memref<80x128xf32, #tpu.memory_space<vmem>>) dst(%dma_wait3A_68 : memref<80x128xf32, #tpu.memory_space<vmem_shared>>)
        tpu.yield
      }) : () -> ()
    }
    %scan3A_24 = arith.constant 8 : i32
    %dma_wait3A = arith.constant 0 : i32
    %dma_wait3A_25 = arith.constant 0 : i32
    %dma_wait3A_26 = tpu.memref_slice %arg3[%add3A, %dma_wait3A, %dma_wait3A_25] : memref<32x125x80xi32, #tpu.memory_space<hbm>> -> memref<1x125x80xi32, #tpu.memory_space<hbm>>
    %dma_wait3A_27 = tpu.memref_squeeze %dma_wait3A_26 : memref<1x125x80xi32, #tpu.memory_space<hbm>> -> memref<125x80xi32, #tpu.memory_space<hbm>>
    %dma_wait3A_28 = arith.constant 0 : i32
    %dma_wait3A_29 = arith.constant 0 : i32
    %dma_wait3A_30 = tpu.memref_slice %arg3[%add3A, %dma_wait3A_28, %dma_wait3A_29] : memref<32x125x80xi32, #tpu.memory_space<hbm>> -> memref<1x125x80xi32, #tpu.memory_space<hbm>>
    %dma_wait3A_31 = tpu.memref_squeeze %dma_wait3A_30 : memref<1x125x80xi32, #tpu.memory_space<hbm>> -> memref<125x80xi32, #tpu.memory_space<hbm>>
    tpu.wait_dma2 semaphore(%arg10 : memref<!tpu.dma_semaphore, #tpu.memory_space<semaphore_mem>>) src(%dma_wait3A_31 : memref<125x80xi32, #tpu.memory_space<hbm>>) dst(%arg6 : memref<125x80xi32, #tpu.memory_space<vmem>>)
    %dma_wait3A_32 = arith.constant 0 : i32
    %dma_wait3A_33 = arith.constant 0 : i32
    %dma_wait3A_34 = tpu.memref_slice %arg4[%add3A, %dma_wait3A_32, %dma_wait3A_33] : memref<32x125x80xi32, #tpu.memory_space<hbm>> -> memref<1x125x80xi32, #tpu.memory_space<hbm>>
    %dma_wait3A_35 = tpu.memref_squeeze %dma_wait3A_34 : memref<1x125x80xi32, #tpu.memory_space<hbm>> -> memref<125x80xi32, #tpu.memory_space<hbm>>
    %dma_wait3A_36 = arith.constant 0 : i32
    %dma_wait3A_37 = arith.constant 0 : i32
    %dma_wait3A_38 = tpu.memref_slice %arg4[%add3A, %dma_wait3A_36, %dma_wait3A_37] : memref<32x125x80xi32, #tpu.memory_space<hbm>> -> memref<1x125x80xi32, #tpu.memory_space<hbm>>
    %dma_wait3A_39 = tpu.memref_squeeze %dma_wait3A_38 : memref<1x125x80xi32, #tpu.memory_space<hbm>> -> memref<125x80xi32, #tpu.memory_space<hbm>>
    tpu.wait_dma2 semaphore(%arg11 : memref<!tpu.dma_semaphore, #tpu.memory_space<semaphore_mem>>) src(%dma_wait3A_39 : memref<125x80xi32, #tpu.memory_space<hbm>>) dst(%arg7 : memref<125x80xi32, #tpu.memory_space<vmem>>)
    %barrier3A = arith.constant 0 : index
    tpu.barrier barrier_id(%barrier3A)
    %scan3A_40 = arith.constant 0 : i32
    %scan3A_41 = arith.constant 125 : i32
    %scan3A_42 = arith.addi %scan3A_40, %scan3A_41 : i32
    %scan3A_43 = arith.constant 1 : i32
    scf.for %scan3A_51 = %scan3A_40 to %scan3A_42 step %scan3A_43  : i32 {
      %mul3A_52 = arith.constant 1 : i32
      %mul3A_53 = arith.muli %scan3A_51, %mul3A_52 : i32
      %add3A_54 = arith.constant 0 : i32
      %add3A_55 = arith.addi %add3A_54, %mul3A_53 : i32
      "tpu.region"() ({
        %run_scoped3A = tpu.sem_alloc : memref<!tpu.dma_semaphore, #tpu.memory_space<semaphore_mem>>
        %dma_start3A_56 = arith.constant 0 : i32
        %dma_start3A_57 = tpu.memref_slice %arg6[%add3A_55, %dma_start3A_56] : memref<125x80xi32, #tpu.memory_space<vmem>> -> memref<1x80xi32, #tpu.memory_space<vmem>>
        %dma_start3A_58 = tpu.memref_squeeze %dma_start3A_57 : memref<1x80xi32, #tpu.memory_space<vmem>> -> memref<80xi32, #tpu.memory_space<vmem>>
        %dma_start3A_59 = arith.constant 0 : i32
        %dma_start3A_60 = arith.constant 0 : i32
        %dma_start3A_61 = tpu.memref_slice %arg2[%dma_start3A_59, %dma_start3A_60] : memref<10000x128xf32, #tpu.memory_space<hbm>> -> memref<10000x128xf32, #tpu.memory_space<hbm>>
        tpu.enqueue_indirect_dma source(%dma_start3A_61 : memref<10000x128xf32, #tpu.memory_space<hbm>>) target(%arg8 : memref<80x128xf32, #tpu.memory_space<vmem>>) offsets(%dma_start3A_58 : memref<80xi32, #tpu.memory_space<vmem>>) semaphore(%run_scoped3A : memref<!tpu.dma_semaphore, #tpu.memory_space<semaphore_mem>>)
        %dma_wait3A_62 = arith.constant 0 : i32
        %dma_wait3A_63 = tpu.memref_slice %arg6[%add3A_55, %dma_wait3A_62] : memref<125x80xi32, #tpu.memory_space<vmem>> -> memref<1x80xi32, #tpu.memory_space<vmem>>
        %dma_wait3A_64 = tpu.memref_squeeze %dma_wait3A_63 : memref<1x80xi32, #tpu.memory_space<vmem>> -> memref<80xi32, #tpu.memory_space<vmem>>
        %dma_wait3A_65 = arith.constant 0 : i32
        %dma_wait3A_66 = arith.constant 0 : i32
        %dma_wait3A_67 = tpu.memref_slice %arg2[%dma_wait3A_65, %dma_wait3A_66] : memref<10000x128xf32, #tpu.memory_space<hbm>> -> memref<10000x128xf32, #tpu.memory_space<hbm>>
        tpu.wait_indirect_dma semaphore(%run_scoped3A : memref<!tpu.dma_semaphore, #tpu.memory_space<semaphore_mem>>) src(%dma_wait3A_67 : memref<10000x128xf32, #tpu.memory_space<hbm>>) dst(%arg8 : memref<80x128xf32, #tpu.memory_space<vmem>>)
        tpu.yield
      }) : () -> ()
      "tpu.region"() ({
        %run_scoped3A = tpu.sem_alloc : memref<!tpu.dma_semaphore, #tpu.memory_space<semaphore_mem>>
        %dma_start3A_56 = arith.constant 0 : i32
        %dma_start3A_57 = tpu.memref_slice %arg7[%add3A_55, %dma_start3A_56] : memref<125x80xi32, #tpu.memory_space<vmem>> -> memref<1x80xi32, #tpu.memory_space<vmem>>
        %dma_start3A_58 = tpu.memref_squeeze %dma_start3A_57 : memref<1x80xi32, #tpu.memory_space<vmem>> -> memref<80xi32, #tpu.memory_space<vmem>>
        %dma_start3A_59 = arith.constant 0 : i32
        %dma_start3A_60 = arith.constant 0 : i32
        %dma_start3A_61 = tpu.memref_slice %arg9[%dma_start3A_59, %dma_start3A_60] : memref<10240x128xf32, #tpu.memory_space<vmem_shared>> -> memref<10240x128xf32, #tpu.memory_space<vmem_shared>>
        tpu.enqueue_indirect_dma source(%arg8 : memref<80x128xf32, #tpu.memory_space<vmem>>) target(%dma_start3A_61 : memref<10240x128xf32, #tpu.memory_space<vmem_shared>>) offsets(%dma_start3A_58 : memref<80xi32, #tpu.memory_space<vmem>>) semaphore(%run_scoped3A : memref<!tpu.dma_semaphore, #tpu.memory_space<semaphore_mem>>) {add = true}
        %dma_wait3A_62 = arith.constant 0 : i32
        %dma_wait3A_63 = tpu.memref_slice %arg7[%add3A_55, %dma_wait3A_62] : memref<125x80xi32, #tpu.memory_space<vmem>> -> memref<1x80xi32, #tpu.memory_space<vmem>>
        %dma_wait3A_64 = tpu.memref_squeeze %dma_wait3A_63 : memref<1x80xi32, #tpu.memory_space<vmem>> -> memref<80xi32, #tpu.memory_space<vmem>>
        %dma_wait3A_65 = arith.constant 0 : i32
        %dma_wait3A_66 = arith.constant 0 : i32
        %dma_wait3A_67 = tpu.memref_slice %arg9[%dma_wait3A_65, %dma_wait3A_66] : memref<10240x128xf32, #tpu.memory_space<vmem_shared>> -> memref<10240x128xf32, #tpu.memory_space<vmem_shared>>
        tpu.wait_indirect_dma semaphore(%run_scoped3A : memref<!tpu.dma_semaphore, #tpu.memory_space<semaphore_mem>>) src(%arg8 : memref<80x128xf32, #tpu.memory_space<vmem>>) dst(%dma_wait3A_67 : memref<10240x128xf32, #tpu.memory_space<vmem_shared>>)
        tpu.yield
      }) : () -> ()
    }
    %scan3A_44 = arith.constant 125 : i32
    %barrier3A_45 = arith.constant 0 : index
    tpu.barrier barrier_id(%barrier3A_45)
    %scan3A_46 = arith.constant 0 : i32
    %scan3A_47 = arith.constant 8 : i32
    %scan3A_48 = arith.addi %scan3A_46, %scan3A_47 : i32
    %scan3A_49 = arith.constant 1 : i32
    scf.for %scan3A_51 = %scan3A_46 to %scan3A_48 step %scan3A_49  : i32 {
      %mul3A_52 = arith.constant 1 : i32
      %mul3A_53 = arith.muli %scan3A_51, %mul3A_52 : i32
      %add3A_54 = arith.constant 0 : i32
      %add3A_55 = arith.addi %add3A_54, %mul3A_53 : i32
      %mul3A_56 = arith.constant 640 : i32
      %mul3A_57 = arith.muli %arg1, %mul3A_56 : i32
      %mul3A_58 = arith.constant 80 : i32
      %mul3A_59 = arith.muli %add3A_55, %mul3A_58 : i32
      %add3A_60 = arith.addi %mul3A_57, %mul3A_59 : i32
      "tpu.region"() ({
        %run_scoped3A = tpu.sem_alloc : memref<!tpu.dma_semaphore, #tpu.memory_space<semaphore_mem>>
        %dma_start3A_61 = arith.constant 0 : i32
        %dma_start3A_62 = tpu.memref_slice %arg9[%add3A_60, %dma_start3A_61] : memref<10240x128xf32, #tpu.memory_space<vmem_shared>> -> memref<80x128xf32, #tpu.memory_space<vmem_shared>>
        %dma_start3A_63 = arith.constant 0 : i32
        %dma_start3A_64 = tpu.memref_slice %arg9[%add3A_60, %dma_start3A_63] : memref<10240x128xf32, #tpu.memory_space<vmem_shared>> -> memref<80x128xf32, #tpu.memory_space<vmem_shared>>
        tpu.enqueue_dma source(%dma_start3A_64 : memref<80x128xf32, #tpu.memory_space<vmem_shared>>) target(%arg8 : memref<80x128xf32, #tpu.memory_space<vmem>>) target_semaphore(%run_scoped3A : memref<!tpu.dma_semaphore, #tpu.memory_space<semaphore_mem>>)
        %dma_wait3A_65 = arith.constant 0 : i32
        %dma_wait3A_66 = tpu.memref_slice %arg9[%add3A_60, %dma_wait3A_65] : memref<10240x128xf32, #tpu.memory_space<vmem_shared>> -> memref<80x128xf32, #tpu.memory_space<vmem_shared>>
        %dma_wait3A_67 = arith.constant 0 : i32
        %dma_wait3A_68 = tpu.memref_slice %arg9[%add3A_60, %dma_wait3A_67] : memref<10240x128xf32, #tpu.memory_space<vmem_shared>> -> memref<80x128xf32, #tpu.memory_space<vmem_shared>>
        tpu.wait_dma2 semaphore(%run_scoped3A : memref<!tpu.dma_semaphore, #tpu.memory_space<semaphore_mem>>) src(%dma_wait3A_68 : memref<80x128xf32, #tpu.memory_space<vmem_shared>>) dst(%arg8 : memref<80x128xf32, #tpu.memory_space<vmem>>)
        tpu.yield
      }) : () -> ()
      "tpu.region"() ({
        %run_scoped3A = tpu.sem_alloc : memref<!tpu.dma_semaphore, #tpu.memory_space<semaphore_mem>>
        %dma_start3A_61 = arith.constant 0 : i32
        %dma_start3A_62 = arith.constant 0 : i32
        %dma_start3A_63 = tpu.memref_slice %arg5[%arg0, %dma_start3A_61, %dma_start3A_62] : memref<2x10240x128xf32, #tpu.memory_space<hbm>> -> memref<1x10240x128xf32, #tpu.memory_space<hbm>>
        %dma_start3A_64 = tpu.memref_squeeze %dma_start3A_63 : memref<1x10240x128xf32, #tpu.memory_space<hbm>> -> memref<10240x128xf32, #tpu.memory_space<hbm>>
        %dma_start3A_65 = arith.constant 0 : i32
        %dma_start3A_66 = tpu.memref_slice %dma_start3A_64[%add3A_60, %dma_start3A_65] : memref<10240x128xf32, #tpu.memory_space<hbm>> -> memref<80x128xf32, #tpu.memory_space<hbm>>
        %dma_start3A_67 = arith.constant 0 : i32
        %dma_start3A_68 = arith.constant 0 : i32
        %dma_start3A_69 = tpu.memref_slice %arg5[%arg0, %dma_start3A_67, %dma_start3A_68] : memref<2x10240x128xf32, #tpu.memory_space<hbm>> -> memref<1x10240x128xf32, #tpu.memory_space<hbm>>
        %dma_start3A_70 = tpu.memref_squeeze %dma_start3A_69 : memref<1x10240x128xf32, #tpu.memory_space<hbm>> -> memref<10240x128xf32, #tpu.memory_space<hbm>>
        %dma_start3A_71 = arith.constant 0 : i32
        %dma_start3A_72 = tpu.memref_slice %dma_start3A_70[%add3A_60, %dma_start3A_71] : memref<10240x128xf32, #tpu.memory_space<hbm>> -> memref<80x128xf32, #tpu.memory_space<hbm>>
        tpu.enqueue_dma source(%arg8 : memref<80x128xf32, #tpu.memory_space<vmem>>) target(%dma_start3A_72 : memref<80x128xf32, #tpu.memory_space<hbm>>) target_semaphore(%run_scoped3A : memref<!tpu.dma_semaphore, #tpu.memory_space<semaphore_mem>>)
        %dma_wait3A_73 = arith.constant 0 : i32
        %dma_wait3A_74 = arith.constant 0 : i32
        %dma_wait3A_75 = tpu.memref_slice %arg5[%arg0, %dma_wait3A_73, %dma_wait3A_74] : memref<2x10240x128xf32, #tpu.memory_space<hbm>> -> memref<1x10240x128xf32, #tpu.memory_space<hbm>>
        %dma_wait3A_76 = tpu.memref_squeeze %dma_wait3A_75 : memref<1x10240x128xf32, #tpu.memory_space<hbm>> -> memref<10240x128xf32, #tpu.memory_space<hbm>>
        %dma_wait3A_77 = arith.constant 0 : i32
        %dma_wait3A_78 = tpu.memref_slice %dma_wait3A_76[%add3A_60, %dma_wait3A_77] : memref<10240x128xf32, #tpu.memory_space<hbm>> -> memref<80x128xf32, #tpu.memory_space<hbm>>
        %dma_wait3A_79 = arith.constant 0 : i32
        %dma_wait3A_80 = arith.constant 0 : i32
        %dma_wait3A_81 = tpu.memref_slice %arg5[%arg0, %dma_wait3A_79, %dma_wait3A_80] : memref<2x10240x128xf32, #tpu.memory_space<hbm>> -> memref<1x10240x128xf32, #tpu.memory_space<hbm>>
        %dma_wait3A_82 = tpu.memref_squeeze %dma_wait3A_81 : memref<1x10240x128xf32, #tpu.memory_space<hbm>> -> memref<10240x128xf32, #tpu.memory_space<hbm>>
        %dma_wait3A_83 = arith.constant 0 : i32
        %dma_wait3A_84 = tpu.memref_slice %dma_wait3A_82[%add3A_60, %dma_wait3A_83] : memref<10240x128xf32, #tpu.memory_space<hbm>> -> memref<80x128xf32, #tpu.memory_space<hbm>>
        tpu.wait_dma2 semaphore(%run_scoped3A : memref<!tpu.dma_semaphore, #tpu.memory_space<semaphore_mem>>) src(%arg8 : memref<80x128xf32, #tpu.memory_space<vmem>>) dst(%dma_wait3A_84 : memref<80x128xf32, #tpu.memory_space<hbm>>)
        tpu.yield
      }) : () -> ()
    }
    %scan3A_50 = arith.constant 8 : i32
    return
  }
}

module attributes {stable_mosaic.version = 14 : i64} {
  func.func @_mlp_body(%arg0: memref<10000x128xf32, #tpu.memory_space<vmem>>, %arg1: memref<128x256xf32, #tpu.memory_space<vmem>>, %arg2: memref<1x256xf32, #tpu.memory_space<vmem>>, %arg3: memref<256x128xf32, #tpu.memory_space<vmem>>, %arg4: memref<2x10000x1xf32, #tpu.memory_space<vmem>>, %arg5: memref<10000x128xf32, #tpu.memory_space<vmem>>) attributes {dimension_semantics = [], scalar_prefetch = 0 : i64, scratch_operands = 0 : i64, tpu.core_type = #tpu.core_type<tc>} {
    %get3A = arith.constant 0 : index
    %get3A_0 = arith.constant 0 : index
    %get3A_1 = vector.load %arg0[%get3A, %get3A_0] : memref<10000x128xf32, #tpu.memory_space<vmem>>, vector<10000x128xf32>
    %get3A_2 = arith.constant 0 : index
    %get3A_3 = arith.constant 0 : index
    %get3A_4 = vector.load %arg1[%get3A_2, %get3A_3] : memref<128x256xf32, #tpu.memory_space<vmem>>, vector<128x256xf32>
    %dot_general3A = arith.constant dense<0.000000e+00> : vector<10000x256xf32>
    %dot_general3A_5 = tpu.matmul %get3A_1, %get3A_4, %dot_general3A {dimension_numbers = #tpu.dot_dimension_numbers<[1], [0], [0], [1], [0, 0, 1, 1], [], []>, transpose_lhs_hint = false} : vector<10000x128xf32>, vector<128x256xf32>, vector<10000x256xf32> -> vector<10000x256xf32>
    %get3A_6 = arith.constant 0 : index
    %get3A_7 = arith.constant 0 : index
    %get3A_8 = vector.load %arg2[%get3A_6, %get3A_7] : memref<1x256xf32, #tpu.memory_space<vmem>>, vector<1x256xf32>
    %add3A = vector.broadcast %get3A_8 : vector<1x256xf32> to vector<10000x256xf32>
    %add3A_9 = arith.addf %dot_general3A_5, %add3A : vector<10000x256xf32>
    %max3A = arith.constant 0.000000e+00 : f32
    %max3A_10 = vector.broadcast %max3A : f32 to vector<10000x256xf32>
    %max3A_11 = arith.maximumf %add3A_9, %max3A_10 : vector<10000x256xf32>
    %get3A_12 = arith.constant 0 : index
    %get3A_13 = arith.constant 0 : index
    %get3A_14 = vector.load %arg3[%get3A_12, %get3A_13] : memref<256x128xf32, #tpu.memory_space<vmem>>, vector<256x128xf32>
    %dot_general3A_15 = arith.constant dense<0.000000e+00> : vector<10000x128xf32>
    %dot_general3A_16 = tpu.matmul %max3A_11, %get3A_14, %dot_general3A_15 {dimension_numbers = #tpu.dot_dimension_numbers<[1], [0], [0], [1], [0, 0, 1, 1], [], []>, transpose_lhs_hint = false} : vector<10000x256xf32>, vector<256x128xf32>, vector<10000x128xf32> -> vector<10000x128xf32>
    %get3A_17 = arith.constant 0 : index
    %get3A_18 = arith.constant 0 : index
    %get3A_19 = arith.constant 0 : index
    %get3A_20 = vector.load %arg4[%get3A_17, %get3A_18, %get3A_19] : memref<2x10000x1xf32, #tpu.memory_space<vmem>>, vector<1x10000x1xf32>
    %get3A_21 = vector.shape_cast %get3A_20 : vector<1x10000x1xf32> to vector<10000x1xf32>
    %get3A_22 = arith.constant 1 : index
    %get3A_23 = arith.constant 0 : index
    %get3A_24 = arith.constant 0 : index
    %get3A_25 = vector.load %arg4[%get3A_22, %get3A_23, %get3A_24] : memref<2x10000x1xf32, #tpu.memory_space<vmem>>, vector<1x10000x1xf32>
    %get3A_26 = vector.shape_cast %get3A_25 : vector<1x10000x1xf32> to vector<10000x1xf32>
    %add3A_27 = arith.addf %get3A_21, %get3A_26 : vector<10000x1xf32>
    %add3A_28 = arith.constant 1.000000e+00 : f32
    %add3A_29 = vector.broadcast %add3A_28 : f32 to vector<10000x1xf32>
    %add3A_30 = arith.addf %add3A_27, %add3A_29 : vector<10000x1xf32>
    %rsqrt3A = math.rsqrt %add3A_30 : vector<10000x1xf32>
    %mul3A = vector.broadcast %rsqrt3A : vector<10000x1xf32> to vector<10000x128xf32>
    %mul3A_31 = arith.mulf %dot_general3A_16, %mul3A : vector<10000x128xf32>
    %swap3A = arith.constant 0 : index
    %swap3A_32 = arith.constant 0 : index
    %swap3A_33 = vector.load %arg5[%swap3A, %swap3A_32] : memref<10000x128xf32, #tpu.memory_space<vmem>>, vector<10000x128xf32>
    tpu.vector_store %arg5[%swap3A, %swap3A_32], %mul3A_31 {strides = array<i32>} : memref<10000x128xf32, #tpu.memory_space<vmem>>, vector<10000x128xf32>,
    return
  }
}

module attributes {stable_mosaic.version = 14 : i64} {
  func.func @_finish_body(%arg0: memref<2x10240x128xf32, #tpu.memory_space<vmem>>, %arg1: memref<10000x128xf32, #tpu.memory_space<vmem>>, %arg2: memref<2x10000x1xf32, #tpu.memory_space<vmem>>, %arg3: memref<1x128xf32, #tpu.memory_space<vmem>>, %arg4: memref<10000x128xf32, #tpu.memory_space<vmem>>) attributes {dimension_semantics = [], scalar_prefetch = 0 : i64, scratch_operands = 0 : i64, tpu.core_type = #tpu.core_type<tc>} {
    %get3A = arith.constant 0 : index
    %get3A_0 = arith.constant 0 : index
    %get3A_1 = arith.constant 0 : index
    %get3A_2 = vector.load %arg2[%get3A, %get3A_0, %get3A_1] : memref<2x10000x1xf32, #tpu.memory_space<vmem>>, vector<1x10000x1xf32>
    %get3A_3 = vector.shape_cast %get3A_2 : vector<1x10000x1xf32> to vector<10000x1xf32>
    %get3A_4 = arith.constant 1 : index
    %get3A_5 = arith.constant 0 : index
    %get3A_6 = arith.constant 0 : index
    %get3A_7 = vector.load %arg2[%get3A_4, %get3A_5, %get3A_6] : memref<2x10000x1xf32, #tpu.memory_space<vmem>>, vector<1x10000x1xf32>
    %get3A_8 = vector.shape_cast %get3A_7 : vector<1x10000x1xf32> to vector<10000x1xf32>
    %add3A = arith.addf %get3A_3, %get3A_8 : vector<10000x1xf32>
    %add3A_9 = arith.constant 1.000000e+00 : f32
    %add3A_10 = vector.broadcast %add3A_9 : f32 to vector<10000x1xf32>
    %add3A_11 = arith.addf %add3A, %add3A_10 : vector<10000x1xf32>
    %rsqrt3A = math.rsqrt %add3A_11 : vector<10000x1xf32>
    %get3A_12 = arith.constant 0 : index
    %get3A_13 = arith.constant 0 : index
    %get3A_14 = arith.constant 0 : index
    %get3A_15 = vector.load %arg0[%get3A_12, %get3A_13, %get3A_14] : memref<2x10240x128xf32, #tpu.memory_space<vmem>>, vector<1x10000x128xf32>
    %get3A_16 = vector.shape_cast %get3A_15 : vector<1x10000x128xf32> to vector<10000x128xf32>
    %get3A_17 = arith.constant 1 : index
    %get3A_18 = arith.constant 0 : index
    %get3A_19 = arith.constant 0 : index
    %get3A_20 = vector.load %arg0[%get3A_17, %get3A_18, %get3A_19] : memref<2x10240x128xf32, #tpu.memory_space<vmem>>, vector<1x10000x128xf32>
    %get3A_21 = vector.shape_cast %get3A_20 : vector<1x10000x128xf32> to vector<10000x128xf32>
    %add3A_22 = arith.addf %get3A_16, %get3A_21 : vector<10000x128xf32>
    %get3A_23 = arith.constant 0 : index
    %get3A_24 = arith.constant 0 : index
    %get3A_25 = vector.load %arg1[%get3A_23, %get3A_24] : memref<10000x128xf32, #tpu.memory_space<vmem>>, vector<10000x128xf32>
    %add3A_26 = arith.addf %add3A_22, %get3A_25 : vector<10000x128xf32>
    %mul3A = vector.broadcast %rsqrt3A : vector<10000x1xf32> to vector<10000x128xf32>
    %mul3A_27 = arith.mulf %mul3A, %add3A_26 : vector<10000x128xf32>
    %get3A_28 = arith.constant 0 : index
    %get3A_29 = arith.constant 0 : index
    %get3A_30 = vector.load %arg3[%get3A_28, %get3A_29] : memref<1x128xf32, #tpu.memory_space<vmem>>, vector<1x128xf32>
    %add3A_31 = vector.broadcast %get3A_30 : vector<1x128xf32> to vector<10000x128xf32>
    %add3A_32 = arith.addf %mul3A_27, %add3A_31 : vector<10000x128xf32>
    %swap3A = arith.constant 0 : index
    %swap3A_33 = arith.constant 0 : index
    %swap3A_34 = vector.load %arg4[%swap3A, %swap3A_33] : memref<10000x128xf32, #tpu.memory_space<vmem>>, vector<10000x128xf32>
    tpu.vector_store %arg4[%swap3A, %swap3A_33], %add3A_32 {strides = array<i32>} : memref<10000x128xf32, #tpu.memory_space<vmem>>, vector<10000x128xf32>,
    return
  }
}

</mosaic_0001>

<sc_bundles>
// kernel: kernel.6.cloned.1.call-start
scs
__scs_entry_jumppad:
0x0: {  	(pc) =	sbr.rel $0x88, $3  }
0x1: {  	(tag) =	ssettag $0x0;
	lr =	simm.s32 $0x1  }
0x2: {  	[smem:$0x3F9B] =	sst lr;
	_ =	strace $0xD0000000  }
0x3: {  	_ = 	snop  }
0x4: {  	_ = 	snop  }
0x5: {  	_ = 	snop  }
0x6: {  	_ = 	snop  }
0x7: {  	_ = 	snop  }
__scs_overlays_trampoline_lowered:
0x8: {  	[smem:$0x3FAA] =	sst s0  }
0x9: {  	[smem:$0x3FAB] =	sst s1  }
0xa: {  	[smem:$0x3FAC] =	sst s2  }
0xb: {  	[smem:$0x3FAD] =	sst s3  }
0xc: {  	[smem:$0x3FAE] =	sst s4  }
0xd: {  	[smem:$0x3FAF] =	sst s5  }
0xe: {  	[smem:$0x3FB0] =	sst s6  }
0xf: {  	[smem:$0x3FB1] =	sst s7  }
0x10: {  	[smem:$0x3FB2] =	sst s8  }
0x11: {  	[smem:$0x3FB3] =	sst s9;
	s0 =	simm.s32 @!p0 $0x0  }
0x12: {  	s1 =	sld [smem:$0x3F99];
	s0 =	simm.s32 @p0 $0x1  }
0x13: {  	[smem:$0x3FB4] =	sst s0;
	s0 =	simm.s32 @!p1 $0x0  }
0x14: {  	s2 =	sld [smem:$0x3F98];
	s0 =	simm.s32 @p1 $0x1  }
0x15: {  	[smem:$0x3FB5] =	sst s0;
	s0 =	simm.s32 @!p2 $0x0  }
0x16: {  	s3 =	sld [smem:$0x3FDB];
	s0 =	simm.s32 @p2 $0x1  }
0x17: {  	s4 =	simm.s32 $0x1BF5;
	[smem:$0x3FB7] =	sst s0  }
0x18: {  	s0 =	sld [smem:$0x3F9A];
	_ =	swait.ge [sflag:s4], $0x0  }
0x19: {  	s7 =	sld [smem:$0x3F9B]  }
0x1a: {  	s8 =	sadd.s32 $0xFFFFE003, lr  }
0x1b: {  	s9 =	sadd.s32 $0xFFFFFEF7, lr;
	s5 =	simm.s32 $0xFFFFFFFF;
	p2 =	slt.u32 s8, $0xFFFFF086  }
0x1c: {  	p1 =	slt.u32 s9, $0xF7A;
	s5 =	simm.s32 @!p2 $0x0  }
0x1d: {  	s5 =	simm.s32 @p1 $0x1;
	p0 =	seq.s32 s7, s2  }
0x1e: {  	s7 =	smul.u32 @!p0 $0xF7A, s2;
	p2 =	seq.s32 @!p0 s5, $0x0  }
0x1f: {  	s9 =	smul.u32 $0xF7A, s1;
	s8 =	simm.s32 @!p0 $0x1BF5;
	p2 =	por !p2, p0  }
0x20: {  	[sflag:s8] =	ssyncset.s32 @!p0 $0xFFFFF086;
	s6 =	sadd.s32 @!p0 s3, s7;
	s7 =	simm.s32 @!p0 $0x108  }
0x21: {  	s3 =	sadd.s32 s3, s9;
	s6 =	sadd.s32 @!p0 $0x88, s6;
	s7 =	simm.s32 @p2 $0x1082  }
0x22: {  	[simem:s7], [sflag:s8] =	dma.local @!p0 [hbm:s6], $0xF7A  }
0x23: {  	s9 =	sor.u32 $0xD0000000, s2;
	s6 =	simm.s32 $0x108;
	_ =	swait.ge @!p0 [sflag:s8], $0x0  }
0x24: {  	s3 =	sadd.s32 $0x88, s3;
	s6 =	simm.s32 @!p1 $0x1082;
	[sflag:s4] =	ssyncset.s32 $0xFFFFF086  }
0x25: {  	[simem:s6], [sflag:s4] =	dma.local [hbm:s3], $0xF7A  }
0x26: {  	[smem:$0x3F9B] =	sst s1;
	(tag) =	ssettag s2;
	_ =	strace s9  }
0x27: {  	s1 =	sld [smem:$0x3FAB]  }
0x28: {  	s2 =	sld [smem:$0x3FAC]  }
0x29: {  	s4 =	sld [smem:$0x3FAE]  }
0x2a: {  	p0 =	seq.s32 s5, $0x0;
	s5 =	sld [smem:$0x3FAF]  }
0x2b: {  	s6 =	sld [smem:$0x3FB0]  }
0x2c: {  	s7 =	sld [smem:$0x3FB1]  }
0x2d: {  	s3 =	simm.s32 $0x108;
	s8 =	sld [smem:$0x3FB2]  }
0x2e: {  	s3 =	simm.s32 @!p0 $0x1082;
	s9 =	sld [smem:$0x3FB3]  }
0x2f: {  	lr =	sadd.s32 s0, s3;
	s0 =	sld [smem:$0x3FAA]  }
0x30: {  	s3 =	sld [smem:$0x3FAD]  }
0x31: {  	[smem:$0x3FB6] =	sst s10  }
0x32: {  	s10 =	sld [smem:$0x3FB4];
	_ =	sdelay $0x3  }
0x33: {  	p0 =	seq.s32 s10, $0x1;
	s10 =	sld [smem:$0x3FB6];
	_ =	sdelay $0x3  }
0x34: {  	[smem:$0x3FB6] =	sst s10  }
0x35: {  	s10 =	sld [smem:$0x3FB5];
	_ =	sdelay $0x3  }
0x36: {  	p1 =	seq.s32 s10, $0x1;
	s10 =	sld [smem:$0x3FB6];
	_ =	sdelay $0x3  }
0x37: {  	[smem:$0x3FB6] =	sst s10  }
0x38: {  	s10 =	sld [smem:$0x3FB7]  }
0x39: {  	_ = 	snop;
	(pc) =	sbr.ind lr, $3  }
0x3a: {  	_ = 	snop  }
0x3b: {  	_ = 	snop  }
0x3c: {  	p2 =	seq.s32 s10, $0x1;
	s10 =	sld [smem:$0x3FB6]  }
0x3d: {  	_ =	shalt  }
0x3e: {  	_ =	shalt  }
0x3f: {  	_ =	shalt  }
0x40: {  	_ =	shalt  }
0x41: {  	_ =	shalt  }
0x42: {  	_ =	shalt  }
0x43: {  	_ =	shalt  }
0x44: {  	_ =	shalt  }
0x45: {  	_ =	shalt  }
0x46: {  	_ =	shalt  }
0x47: {  	_ =	shalt  }
0x48: {  	_ =	shalt  }
0x49: {  	_ =	shalt  }
0x4a: {  	_ =	shalt  }
0x4b: {  	_ =	shalt  }
0x4c: {  	_ =	shalt  }
0x4d: {  	_ =	shalt  }
0x4e: {  	_ =	shalt  }
0x4f: {  	_ =	shalt  }
0x50: {  	_ =	shalt  }
0x51: {  	_ =	shalt  }
0x52: {  	_ =	shalt  }
0x53: {  	_ =	shalt  }
0x54: {  	_ =	shalt  }
0x55: {  	_ =	shalt  }
0x56: {  	_ =	shalt  }
0x57: {  	_ =	shalt  }
0x58: {  	_ =	shalt  }
0x59: {  	_ =	shalt  }
0x5a: {  	_ =	shalt  }
0x5b: {  	_ =	shalt  }
0x5c: {  	_ =	shalt  }
0x5d: {  	_ =	shalt  }
0x5e: {  	_ =	shalt  }
0x5f: {  	_ =	shalt  }
0x60: {  	_ =	shalt  }
0x61: {  	_ =	shalt  }
0x62: {  	_ =	shalt  }
0x63: {  	_ =	shalt  }
0x64: {  	_ =	shalt  }
0x65: {  	_ =	shalt  }
0x66: {  	_ =	shalt  }
0x67: {  	_ =	shalt  }
0x68: {  	_ =	shalt  }
0x69: {  	_ =	shalt  }
0x6a: {  	_ =	shalt  }
0x6b: {  	_ =	shalt  }
0x6c: {  	_ =	shalt  }
0x6d: {  	_ =	shalt  }
0x6e: {  	_ =	shalt  }
0x6f: {  	_ =	shalt  }
0x70: {  	_ =	shalt  }
0x71: {  	_ =	shalt  }
0x72: {  	_ =	shalt  }
0x73: {  	_ =	shalt  }
0x74: {  	_ =	shalt  }
0x75: {  	_ =	shalt  }
0x76: {  	_ =	shalt  }
0x77: {  	_ =	shalt  }
0x78: {  	_ =	shalt  }
0x79: {  	_ =	shalt  }
0x7a: {  	_ =	shalt  }
0x7b: {  	_ =	shalt  }
0x7c: {  	_ =	shalt  }
0x7d: {  	_ =	shalt  }
0x7e: {  	_ =	shalt  }
0x7f: {  	_ =	shalt  }
0x80: {  	_ =	shalt  }
0x81: {  	_ =	shalt  }
0x82: {  	_ =	shalt  }
0x83: {  	_ =	shalt  }
0x84: {  	_ =	shalt  }
0x85: {  	_ =	shalt  }
0x86: {  	_ =	shalt  }
0x87: {  	_ =	shalt  }
.Lfunc_end0:
.L_simem_size_0:
called_computation_lowered:
.L_overlay_start_0:
0x88: {  	s2 =	sld [smem:$0x3FD9]  }
0x89: {  	s3 =	sld [smem:$0x3FFE];
	_ =	sdelay $0x1  }
0x8a: {  	s1 =	srdreg.scid  }
0x8b: {  	s0 =	sand.u32 $0x1, s1  }
0x8c: {  	s17 =	sshll.u32 s0, $0xA;
	s2 =	sadd.s32 s3, s2  }
0x8d: {  	s2 =	sadd.s32 s2, s17  }
0x8e: {  	[smem:$0x3FC2] =	sst s2  }
0x8f: {  	_ = 	snop  }
0x90: {  	s2 =	sld [smem:$0x3FD0];
	(tm) =	ssettm $0x1  }
0x91: {  	s18 =	sld [smem:$0x3FFB];
	_ =	sdelay $0x3  }
0x92: {  	_ =	strace s18  }
0x93: {  	s3 =	sld [smem:$0x3FFC];
	_ =	sdelay $0x3  }
0x94: {  	_ =	strace s3  }
0x95: {  	s3 =	sld [smem:$0x3FFD];
	_ =	sdelay $0x3  }
0x96: {  	_ =	strace s3  }
0x97: {  	_ =	strace $0x8FFFFFFF  }
0x98: {  	s19 =	sld [smem:$0x3FDB];
	_ =	sdelay $0x1  }
0x99: {  	s4 =	simm.s32 $_scs_section_size  }
0x9a: {  	s5 =	simm.s32 $_size__tile_overlayer_lowered;
	s6 =	simm.s32 $_tile_overlayer_lowered  }
0x9b: {  	s22 =	simm.s32 $0x1BFF;
	s21 =	sshll.u32 s6, $0x1;
	s3 =	sadd.s32 s4, s19  }
0x9c: {  	s7 =	simm.s32 $0x0;
	s20 =	sshll.u32 s5, $0x1;
	s5 =	sadd.s32 s21, s3  }
0x9d: {  	[timem:s7], [sflag:s22] =	dma.local [hbm:s5], s20  }
0x9e: {  	_ =	swait.ge [sflag:s22], s20  }
0x9f: {  	s4 =	ssub.s32 $0x0, s20;
	[sflag:s22] =	ssyncset.done $0x0  }
0xa0: {  	[sflag:s22] =	ssyncadd.s32 s4;
	_ =	sdelay $0x1  }
0xa1: {  	s23 =	simm.s32 $0x1B8B  }
0xa2: {  	_ =	swait.ge [sflag:s23], $0x1  }
0xa3: {  	[sflag:s23] =	ssyncset.done $0x0  }
0xa4: {  	s25 =	simm.s32 $0x1B8E;
	s24 =	sld [smem:$0x3FFE];
	[sflag:s23] =	ssyncadd.s32 $0xFFFFFFFF  }
0xa5: {  	s26 =	simm.s32 $execute0_lowered;
	[smem:$0x3FD2] =	sst s25  }
0xa6: {  	s5 =	sshll.u32 s26, $0x1;
	_ =	strace $0x80000046;
	[dreg:$0x1] =	wrdreg $0xFFFFFFFF  }
0xa7: {  	s28 =	simm.s32 $_size_execute0_lowered;
	s3 =	sadd.s32 s3, s5;
	[dreg:$0x0] =	wrdreg $0x0  }
0xa8: {  	s5 =	sshll.u32 s28, $0x1;
	[dreg:$0x2] =	wrdreg s3  }
0xa9: {  	[dreg:$0x3] =	wrdreg s5  }
0xaa: {  	[dreg:$0x4] =	wrdreg $0xC0  }
0xab: {  	_ =	task [dreg:s7], $0x5FFFF  }
0xac: {  	[dreg:$0x1] =	wrdreg $0xFFFFFFFF  }
0xad: {  	[dreg:$0x0] =	wrdreg $0x60  }
0xae: {  	[dreg:$0x2] =	wrdreg s24  }
0xaf: {  	[dreg:$0x3] =	wrdreg s2  }
0xb0: {  	[dreg:$0x4] =	wrdreg $0x68000  }
0xb1: {  	[dreg:$0x5] =	wrdreg $0x9  }
0xb2: {  	_ =	task.clear_ibuf [dreg:s7], $0x6FFFF;
	_ =	strace $0x90000046  }
0xb3: {  	s29 =	simm.s32 $0x9;
	_ =	strace $0x80000048  }
0xb4: {  	_ =	swait.ge [sflag:s29], $0x1  }
0xb5: {  	[sflag:s29] =	ssyncadd.s32 $0xFFFFFFFF  }
0xb6: {  	_ =	strace $0x90000048  }
0xb7: {  	_ =	sfence  }
0xb8: {  	s30 =	sld [smem:$0x0];
	_ =	sdelay $0x2  }
0xb9: {  	s31 =	sshll.u32 s1, $0xD;
	s1 =	sshrl.u32 s1, $0x2  }
0xba: {  	s3 =	sand.u32 $0x4000, s31;
	s1 =	sadd.s32 s1, s30  }
0xbb: {  	s0 =	sor.u32 s3, s0;
	s1 =	sshll.u32 s1, $0x11  }
0xbc: {  	s0 =	sor.u32 s1, s0  }
0xbd: {  	s0 =	sadd.s32 $0x8F2B, s0  }
0xbe: {  	[sflag:s0] =	ssyncadd.remote.s32 $0x1  }
0xbf: {  	_ =	sfence.sel $0xFFFF  }
0xc0: {  	[dreg:$0x0] =	wrdreg $0xFFFFFFFF;
	(pc) =	sbr.abs _section_cstart, $3  }
0xc1: {  	[dreg:$0x1] =	wrdreg $0xFFFFFFFF  }
0xc2: {  	_ =	task.clear_ibuf [dreg:s7], $0x2FFFF;
	_ =	strace $0x9FFFFFFF  }
0xc3: {  	(tm) =	ssettm $0x7FFFFFFF  }
tec
execute0_lowered:
.L_overlay_start_1:
0x0: {  	(tag) =	ssettag $0x1  }
0x1: {  	s3 =	rddreg [dreg:$0x0]  }
0x2: {  	s4 =	rddreg [dreg:$0x1]  }
0x3: {  	s1 =	rddreg [dreg:$0x2]  }
0x4: {  	s0 =	rddreg [dreg:$0x3];
	s2 =	simm.s32 $0x0;
	s5 =	srdreg.scid  }
0x5: {  	s6 =	stileid.u32;
	s10 =	simm.s32 $0x4000;
	[smem:$0x7FF] =	sst s2  }
0x6: {  	s5 =	sand.u32 $0x1, s5;
	s7 =	sshll.u32 s6, $0xB;
	p0 =	sne.s32 s6, $0x0  }
0x7: {  	s6 =	simm.s32 $0x4080;
	_ =	strace $0x80000047;
	s8 =	ssub.s32 $0x2, s5  }
0x8: {  	s3 =	sadd.s32 s7, s3;
	s9 =	sshll.u32 s5, $0xF;
	s5 =	sshll.u32 s5, $0x4  }
0x9: {  	s31 =	sshrl.u32 s8, $0x1;
	s3 =	sadd.s32 s9, s3;
	s4 =	sadd.s32 s4, s5  }
0xa: {  	s9 =	simm.s32 $0x50;
	s7 =	ssub.s32 s8, s31;
	s3 =	sadd.s32 $0x1400, s3  }
0xb: {  	v0 =	vimm.f32 $1.000000000e+00;
	v1 =	vimm.f32 $0.0e+00;
	s8 =	simm.s32 $0x1;
	s5 =	smax.u32 s7, $0x1;
	s7 =	simm.s32 $0x2  }
.LBB2_1:
.Ltmp0:
0xc: {  	[tilespmem:$0x4000] =	vst v0;
	(pc) =	sbr.rel @p0 .LBB2_5-.Ltmp0, $4  }
0xd: {  	[tilespmem:$0x4010] =	vst v0  }
0xe: {  	[tilespmem:$0x4020] =	vst v0  }
0xf: {  	[tilespmem:$0x4030] =	vst v0  }
0x10: {  	[tilespmem:$0x4040] =	vst v0  }
0x11: {  	s11 =	simm.s32 $0x40;
	s12 =	simm.s32 $0x0  }
.LBB2_3:
0x12: {  	p1 =	sne.s32 s11, $0x9C00;
	[tilespmem:s12+$0x4080] =	vst v1;
	s12 =	smov.u32 s11;
	s11 =	sadd.s32 $0x40, s11  }
.Ltmp1:
0x13: {  	(pc) =	sbr.rel @p1 .LBB2_3-.Ltmp1, $2  }
0x14: {  	_ =	sdelay $0x2  }
0x15: {  	s12 =	sshra.s32 s12, $0x2  }
0x16: {  	[tilespmem:s12+$0x4080] =	vst v1  }
0x17: {  	[spmem:s1] =	stream.linear.scatter [tilespmem:s6], [sflag:$0x2], $0x2780, $0x38;
	[tilespmem:$0x6A78] =	vst v63  }
0x18: {  	_ =	swait.ge [sflag:s7], $0x2780  }
0x19: {  	[sflag:s7] =	ssyncset.done $0x0  }
0x1a: {  	[sflag:s7] =	ssyncadd.s32 $0xFFFFD880  }
.LBB2_5:
0x1b: {  	[bflag:$0x0] =	sbarrier.arrive $0xFFFF;
	s11 =	simm.s32 $0x0  }
0x1c: {  	[tilespmem:s11], [sflag:$0x1] =	stream.linear.gather [hbm4b:s3+s11], $0x3E80, $0x38;
	[tilespmem:$0x6A78] =	vst v63  }
0x1d: {  	_ =	swait.ge [sflag:s8], $0x3E80  }
0x1e: {  	[sflag:s8] =	ssyncset.done $0x0  }
0x1f: {  	s31 =	simm.s32 $0x0;
	[sflag:s8] =	ssyncadd.s32 $0xFFFFC180  }
0x20: {  	[spmem:s1] =	stream.indirect.scatter.add.f32 [tilespmem:s10], [sflag:$0x2], $0x1, s31, s9, $0xb8;
	[tilespmem:$0x6A78] =	vst v63  }
0x21: {  	_ =	swait.ge [sflag:s7], $0x50  }
0x22: {  	s11 =	simm.s32 $0x200;
	[sflag:s7] =	ssyncset.done $0x0  }
.LBB2_6:
0x23: {  	s12 =	sshra.s32 s11, $0x2;
	[sflag:s7] =	ssyncadd.s32 $0xFFFFFFB0;
	p1 =	sne.s32 s11, $0xF800  }
0x24: {  	[spmem:s1] =	stream.indirect.scatter.add.f32 [tilespmem:s10], [sflag:$0x2], $0x1, s12, s9, $0xb8;
	[tilespmem:$0x6A78] =	vst v63  }
.Ltmp2:
0x25: {  	_ = 	snop;
	(pc) =	sbr.rel @p1 .LBB2_6-.Ltmp2, $4  }
0x26: {  	_ = 	snop  }
0x27: {  	s11 =	sadd.s32 $0x200, s11  }
0x28: {  	_ =	swait.ge [sflag:s7], $0x50  }
0x29: {  	[sflag:s7] =	ssyncset.done $0x0  }
0x2a: {  	[sflag:s7] =	ssyncadd.s32 $0xFFFFFFB0  }
0x2b: {  	s11 =	simm.s32 @!p0 $0x4080;
	s12 =	simm.s32 @!p0 $0x2;
	[bflag:$0x0] =	sbarrier.arrive $0xFFFF  }
0x2c: {  	[tilespmem:s11], [sflag:$0x2] =	stream.linear.gather @!p0 [spmem:s1], $0x2780, $0x38;
	[tilespmem:$0x6A78] =	vst v63  }
0x2d: {  	s2 =	sadd.s32 $0x1, s2;
	_ =	swait.ge @!p0 [sflag:s12], $0x2780  }
0x2e: {  	s13 =	simm.s32 @!p0 $0x80;
	p1 =	sne.s32 s2, s5;
	[sflag:s12] =	ssyncset.done @!p0 $0x0  }
.Ltmp3:
0x2f: {  	s14 =	simm.s32 @!p0 $0x100;
	[sflag:s12] =	ssyncadd.s32 @!p0 $0xFFFFD880;
	(pc) =	sbr.rel @p1 .LBB2_1-.Ltmp3, $4  }
0x30: {  	[hbm4b:s4+s13] =	stream.strided.scatter @!p0 [tilespmem:s11], [sflag:$0x2], $0x2780, s14, s13, $0x38;
	[tilespmem:$0x6A78] =	vst v63  }
0x31: {  	_ =	swait.ge @!p0 [sflag:s12], $0x2780  }
0x32: {  	[sflag:s12] =	ssyncset.done @!p0 $0x0  }
0x33: {  	[sflag:s12] =	ssyncadd.s32 @!p0 $0xFFFFD880  }
0x34: {  	_ =	sfence.sel $0x180000  }
0x35: {  	[bflag:$0x0] =	sbarrier.arrive $0xFFFF  }
0x36: {  	_ =	strace $0x90000047  }
0x37: {  	s0 =	sadd.s32 @!p0 $0x100000, s0;
	[bflag:$0x2] =	sbarrier.arrive $0xFFFF  }
0x38: {  	[sflag:s0] =	ssyncadd.tile.s32 @!p0 $0x1;
	_ =	shalt  }
.Lfunc_end2:
_tile_overlayer_lowered:
.L_overlay_start_2:
0x39: {  	(tag) =	ssettag $0x2  }
0x3a: {  	s0 =	rddreg [dreg:$0x0];
	s2 =	stileid.u32  }
0x3b: {  	s1 =	rddreg [dreg:$0x1];
	p0 =	sne.s32 s2, $0x0  }
0x3c: {  	s3 =	rddreg [dreg:$0x2];
	[bflag:$0x3] =	sbarrier.arrive $0xFFFF;
	s2 =	simm.s32 @!p0 $0x1C02  }
0x3d: {  	[timem:s3], [sflag:s2] =	dma.local @!p0 [hbm:s0], s1  }
0x3e: {  	s0 =	simm.s32 @!p0 $0x2  }
0x3f: {  	_ =	swait.ge @!p0 [sflag:s0], s1  }
0x40: {  	s1 =	ssub.s32 @!p0 $0x0, s1;
	[sflag:s0] =	ssyncset.done @!p0 $0x0  }
0x41: {  	[sflag:s0] =	ssyncadd.s32 @!p0 s1  }
0x42: {  	[bflag:$0x3] =	sbarrier.arrive $0xFFFF  }
0x43: {  	_ =	shalt  }

// kernel: kernel.9.cloned.1.call-start
scs
__scs_entry_jumppad:
0x0: {  	(pc) =	sbr.rel $0x88, $3  }
0x1: {  	(tag) =	ssettag $0x0;
	lr =	simm.s32 $0x1  }
0x2: {  	[smem:$0x3F9B] =	sst lr;
	_ =	strace $0xD0000000  }
0x3: {  	_ = 	snop  }
0x4: {  	_ = 	snop  }
0x5: {  	_ = 	snop  }
0x6: {  	_ = 	snop  }
0x7: {  	_ = 	snop  }
__scs_overlays_trampoline_lowered:
0x8: {  	[smem:$0x3FAA] =	sst s0  }
0x9: {  	[smem:$0x3FAB] =	sst s1  }
0xa: {  	[smem:$0x3FAC] =	sst s2  }
0xb: {  	[smem:$0x3FAD] =	sst s3  }
0xc: {  	[smem:$0x3FAE] =	sst s4  }
0xd: {  	[smem:$0x3FAF] =	sst s5  }
0xe: {  	[smem:$0x3FB0] =	sst s6  }
0xf: {  	[smem:$0x3FB1] =	sst s7  }
0x10: {  	[smem:$0x3FB2] =	sst s8  }
0x11: {  	[smem:$0x3FB3] =	sst s9;
	s0 =	simm.s32 @!p0 $0x0  }
0x12: {  	s1 =	sld [smem:$0x3F99];
	s0 =	simm.s32 @p0 $0x1  }
0x13: {  	[smem:$0x3FB4] =	sst s0;
	s0 =	simm.s32 @!p1 $0x0  }
0x14: {  	s2 =	sld [smem:$0x3F98];
	s0 =	simm.s32 @p1 $0x1  }
0x15: {  	[smem:$0x3FB5] =	sst s0;
	s0 =	simm.s32 @!p2 $0x0  }
0x16: {  	s3 =	sld [smem:$0x3FDB];
	s0 =	simm.s32 @p2 $0x1  }
0x17: {  	s4 =	simm.s32 $0x1BF5;
	[smem:$0x3FB7] =	sst s0  }
0x18: {  	s0 =	sld [smem:$0x3F9A];
	_ =	swait.ge [sflag:s4], $0x0  }
0x19: {  	s7 =	sld [smem:$0x3F9B]  }
0x1a: {  	s8 =	sadd.s32 $0xFFFFE003, lr  }
0x1b: {  	s9 =	sadd.s32 $0xFFFFFEF7, lr;
	s5 =	simm.s32 $0xFFFFFFFF;
	p2 =	slt.u32 s8, $0xFFFFF086  }
0x1c: {  	p1 =	slt.u32 s9, $0xF7A;
	s5 =	simm.s32 @!p2 $0x0  }
0x1d: {  	s5 =	simm.s32 @p1 $0x1;
	p0 =	seq.s32 s7, s2  }
0x1e: {  	s7 =	smul.u32 @!p0 $0xF7A, s2;
	p2 =	seq.s32 @!p0 s5, $0x0  }
0x1f: {  	s9 =	smul.u32 $0xF7A, s1;
	s8 =	simm.s32 @!p0 $0x1BF5;
	p2 =	por !p2, p0  }
0x20: {  	[sflag:s8] =	ssyncset.s32 @!p0 $0xFFFFF086;
	s6 =	sadd.s32 @!p0 s3, s7;
	s7 =	simm.s32 @!p0 $0x108  }
0x21: {  	s3 =	sadd.s32 s3, s9;
	s6 =	sadd.s32 @!p0 $0x88, s6;
	s7 =	simm.s32 @p2 $0x1082  }
0x22: {  	[simem:s7], [sflag:s8] =	dma.local @!p0 [hbm:s6], $0xF7A  }
0x23: {  	s9 =	sor.u32 $0xD0000000, s2;
	s6 =	simm.s32 $0x108;
	_ =	swait.ge @!p0 [sflag:s8], $0x0  }
0x24: {  	s3 =	sadd.s32 $0x88, s3;
	s6 =	simm.s32 @!p1 $0x1082;
	[sflag:s4] =	ssyncset.s32 $0xFFFFF086  }
0x25: {  	[simem:s6], [sflag:s4] =	dma.local [hbm:s3], $0xF7A  }
0x26: {  	[smem:$0x3F9B] =	sst s1;
	(tag) =	ssettag s2;
	_ =	strace s9  }
0x27: {  	s1 =	sld [smem:$0x3FAB]  }
0x28: {  	s2 =	sld [smem:$0x3FAC]  }
0x29: {  	s4 =	sld [smem:$0x3FAE]  }
0x2a: {  	p0 =	seq.s32 s5, $0x0;
	s5 =	sld [smem:$0x3FAF]  }
0x2b: {  	s6 =	sld [smem:$0x3FB0]  }
0x2c: {  	s7 =	sld [smem:$0x3FB1]  }
0x2d: {  	s3 =	simm.s32 $0x108;
	s8 =	sld [smem:$0x3FB2]  }
0x2e: {  	s3 =	simm.s32 @!p0 $0x1082;
	s9 =	sld [smem:$0x3FB3]  }
0x2f: {  	lr =	sadd.s32 s0, s3;
	s0 =	sld [smem:$0x3FAA]  }
0x30: {  	s3 =	sld [smem:$0x3FAD]  }
0x31: {  	[smem:$0x3FB6] =	sst s10  }
0x32: {  	s10 =	sld [smem:$0x3FB4];
	_ =	sdelay $0x3  }
0x33: {  	p0 =	seq.s32 s10, $0x1;
	s10 =	sld [smem:$0x3FB6];
	_ =	sdelay $0x3  }
0x34: {  	[smem:$0x3FB6] =	sst s10  }
0x35: {  	s10 =	sld [smem:$0x3FB5];
	_ =	sdelay $0x3  }
0x36: {  	p1 =	seq.s32 s10, $0x1;
	s10 =	sld [smem:$0x3FB6];
	_ =	sdelay $0x3  }
0x37: {  	[smem:$0x3FB6] =	sst s10  }
0x38: {  	s10 =	sld [smem:$0x3FB7]  }
0x39: {  	_ = 	snop;
	(pc) =	sbr.ind lr, $3  }
0x3a: {  	_ = 	snop  }
0x3b: {  	_ = 	snop  }
0x3c: {  	p2 =	seq.s32 s10, $0x1;
	s10 =	sld [smem:$0x3FB6]  }
0x3d: {  	_ =	shalt  }
0x3e: {  	_ =	shalt  }
0x3f: {  	_ =	shalt  }
0x40: {  	_ =	shalt  }
0x41: {  	_ =	shalt  }
0x42: {  	_ =	shalt  }
0x43: {  	_ =	shalt  }
0x44: {  	_ =	shalt  }
0x45: {  	_ =	shalt  }
0x46: {  	_ =	shalt  }
0x47: {  	_ =	shalt  }
0x48: {  	_ =	shalt  }
0x49: {  	_ =	shalt  }
0x4a: {  	_ =	shalt  }
0x4b: {  	_ =	shalt  }
0x4c: {  	_ =	shalt  }
0x4d: {  	_ =	shalt  }
0x4e: {  	_ =	shalt  }
0x4f: {  	_ =	shalt  }
0x50: {  	_ =	shalt  }
0x51: {  	_ =	shalt  }
0x52: {  	_ =	shalt  }
0x53: {  	_ =	shalt  }
0x54: {  	_ =	shalt  }
0x55: {  	_ =	shalt  }
0x56: {  	_ =	shalt  }
0x57: {  	_ =	shalt  }
0x58: {  	_ =	shalt  }
0x59: {  	_ =	shalt  }
0x5a: {  	_ =	shalt  }
0x5b: {  	_ =	shalt  }
0x5c: {  	_ =	shalt  }
0x5d: {  	_ =	shalt  }
0x5e: {  	_ =	shalt  }
0x5f: {  	_ =	shalt  }
0x60: {  	_ =	shalt  }
0x61: {  	_ =	shalt  }
0x62: {  	_ =	shalt  }
0x63: {  	_ =	shalt  }
0x64: {  	_ =	shalt  }
0x65: {  	_ =	shalt  }
0x66: {  	_ =	shalt  }
0x67: {  	_ =	shalt  }
0x68: {  	_ =	shalt  }
0x69: {  	_ =	shalt  }
0x6a: {  	_ =	shalt  }
0x6b: {  	_ =	shalt  }
0x6c: {  	_ =	shalt  }
0x6d: {  	_ =	shalt  }
0x6e: {  	_ =	shalt  }
0x6f: {  	_ =	shalt  }
0x70: {  	_ =	shalt  }
0x71: {  	_ =	shalt  }
0x72: {  	_ =	shalt  }
0x73: {  	_ =	shalt  }
0x74: {  	_ =	shalt  }
0x75: {  	_ =	shalt  }
0x76: {  	_ =	shalt  }
0x77: {  	_ =	shalt  }
0x78: {  	_ =	shalt  }
0x79: {  	_ =	shalt  }
0x7a: {  	_ =	shalt  }
0x7b: {  	_ =	shalt  }
0x7c: {  	_ =	shalt  }
0x7d: {  	_ =	shalt  }
0x7e: {  	_ =	shalt  }
0x7f: {  	_ =	shalt  }
0x80: {  	_ =	shalt  }
0x81: {  	_ =	shalt  }
0x82: {  	_ =	shalt  }
0x83: {  	_ =	shalt  }
0x84: {  	_ =	shalt  }
0x85: {  	_ =	shalt  }
0x86: {  	_ =	shalt  }
0x87: {  	_ =	shalt  }
.Lfunc_end0:
.L_simem_size_0:
called_computation.1_lowered:
.L_overlay_start_0:
0x88: {  	s2 =	sld [smem:$0x3FD9]  }
0x89: {  	s3 =	sld [smem:$0x3FFE];
	_ =	sdelay $0x1  }
0x8a: {  	s1 =	srdreg.scid  }
0x8b: {  	s0 =	sand.u32 $0x1, s1  }
0x8c: {  	s17 =	sshll.u32 s0, $0xA;
	s2 =	sadd.s32 s3, s2  }
0x8d: {  	s2 =	sadd.s32 s2, s17  }
0x8e: {  	[smem:$0x3FC2] =	sst s2  }
0x8f: {  	_ = 	snop  }
0x90: {  	s2 =	sld [smem:$0x3FD0];
	(tm) =	ssettm $0x1  }
0x91: {  	s18 =	sld [smem:$0x3FFB];
	_ =	sdelay $0x3  }
0x92: {  	_ =	strace s18  }
0x93: {  	s3 =	sld [smem:$0x3FFC];
	_ =	sdelay $0x3  }
0x94: {  	_ =	strace s3  }
0x95: {  	s3 =	sld [smem:$0x3FFD];
	_ =	sdelay $0x3  }
0x96: {  	_ =	strace s3  }
0x97: {  	_ =	strace $0x8FFFFFFF  }
0x98: {  	s19 =	sld [smem:$0x3FDB];
	_ =	sdelay $0x1  }
0x99: {  	s4 =	simm.s32 $_scs_section_size  }
0x9a: {  	s5 =	simm.s32 $_size__tile_overlayer_lowered;
	s6 =	simm.s32 $_tile_overlayer_lowered  }
0x9b: {  	s22 =	simm.s32 $0x1BFF;
	s21 =	sshll.u32 s6, $0x1;
	s3 =	sadd.s32 s4, s19  }
0x9c: {  	s7 =	simm.s32 $0x0;
	s20 =	sshll.u32 s5, $0x1;
	s5 =	sadd.s32 s21, s3  }
0x9d: {  	[timem:s7], [sflag:s22] =	dma.local [hbm:s5], s20  }
0x9e: {  	_ =	swait.ge [sflag:s22], s20  }
0x9f: {  	s4 =	ssub.s32 $0x0, s20;
	[sflag:s22] =	ssyncset.done $0x0  }
0xa0: {  	[sflag:s22] =	ssyncadd.s32 s4;
	_ =	sdelay $0x1  }
0xa1: {  	s23 =	simm.s32 $0x1B8B  }
0xa2: {  	_ =	swait.ge [sflag:s23], $0x1  }
0xa3: {  	[sflag:s23] =	ssyncset.done $0x0  }
0xa4: {  	s25 =	simm.s32 $0x1B8E;
	s24 =	sld [smem:$0x3FFE];
	[sflag:s23] =	ssyncadd.s32 $0xFFFFFFFF  }
0xa5: {  	s26 =	simm.s32 $execute0_lowered;
	[smem:$0x3FD2] =	sst s25  }
0xa6: {  	s5 =	sshll.u32 s26, $0x1;
	_ =	strace $0x80000049;
	[dreg:$0x1] =	wrdreg $0xFFFFFFFF  }
0xa7: {  	s28 =	simm.s32 $_size_execute0_lowered;
	s3 =	sadd.s32 s3, s5;
	[dreg:$0x0] =	wrdreg $0x0  }
0xa8: {  	s5 =	sshll.u32 s28, $0x1;
	[dreg:$0x2] =	wrdreg s3  }
0xa9: {  	[dreg:$0x3] =	wrdreg s5  }
0xaa: {  	[dreg:$0x4] =	wrdreg $0xC0  }
0xab: {  	_ =	task [dreg:s7], $0x5FFFF  }
0xac: {  	[dreg:$0x1] =	wrdreg $0xFFFFFFFF  }
0xad: {  	[dreg:$0x0] =	wrdreg $0x60  }
0xae: {  	[dreg:$0x2] =	wrdreg s2  }
0xaf: {  	[dreg:$0x3] =	wrdreg s24  }
0xb0: {  	[dreg:$0x4] =	wrdreg $0xA8000  }
0xb1: {  	[dreg:$0x5] =	wrdreg $0x9  }
0xb2: {  	_ =	task.clear_ibuf [dreg:s7], $0x6FFFF;
	_ =	strace $0x90000049  }
0xb3: {  	s29 =	simm.s32 $0x9;
	_ =	strace $0x8000004B  }
0xb4: {  	_ =	swait.ge [sflag:s29], $0x1  }
0xb5: {  	[sflag:s29] =	ssyncadd.s32 $0xFFFFFFFF  }
0xb6: {  	_ =	strace $0x9000004B  }
0xb7: {  	_ =	sfence  }
0xb8: {  	s30 =	sld [smem:$0x0];
	_ =	sdelay $0x2  }
0xb9: {  	s31 =	sshll.u32 s1, $0xD;
	s1 =	sshrl.u32 s1, $0x2  }
0xba: {  	s3 =	sand.u32 $0x4000, s31;
	s1 =	sadd.s32 s1, s30  }
0xbb: {  	s0 =	sor.u32 s3, s0;
	s1 =	sshll.u32 s1, $0x11  }
0xbc: {  	s0 =	sor.u32 s1, s0  }
0xbd: {  	s0 =	sadd.s32 $0x8F2B, s0  }
0xbe: {  	[sflag:s0] =	ssyncadd.remote.s32 $0x1  }
0xbf: {  	_ =	sfence.sel $0xFFFF  }
0xc0: {  	[dreg:$0x0] =	wrdreg $0xFFFFFFFF;
	(pc) =	sbr.abs _section_cstart, $3  }
0xc1: {  	[dreg:$0x1] =	wrdreg $0xFFFFFFFF  }
0xc2: {  	_ =	task.clear_ibuf [dreg:s7], $0x2FFFF;
	_ =	strace $0x9FFFFFFF  }
0xc3: {  	(tm) =	ssettm $0x7FFFFFFF  }
tec
execute0_lowered:
.L_overlay_start_1:
0x0: {  	(tag) =	ssettag $0x1  }
0x1: {  	s1 =	rddreg [dreg:$0x0]  }
0x2: {  	s0 =	rddreg [dreg:$0x1]  }
0x3: {  	s3 =	rddreg [dreg:$0x2];
	s2 =	srdreg.scid  }
0x4: {  	s4 =	simm.s32 $0x0;
	s22 =	stileid.u32;
	s30 =	simm.s32 $0x50  }
0x5: {  	s31 =	simm.s32 $0x0;
	s2 =	sand.u32 $0x1, s2;
	s13 =	smul.u32 $0x280, s22  }
0x6: {  	[smem:$0x7FF] =	sst s4;
	s6 =	sshll.u32 s22, $0xB;
	s8 =	smul.u32 $0x50000, s22  }
0x7: {  	s22 =	smul.u32 $0x2800, s22;
	s5 =	sshll.u32 s2, $0xF;
	_ =	strace $0x8000004A  }
0x8: {  	s19 =	smul.u32 $0x28000, s2;
	s2 =	ssub.s32 $0x2, s2;
	s5 =	sor.u32 s6, s5  }
0x9: {  	s20 =	sshrl.u32 s2, $0x1;
	s23 =	sshrl.u32 s8, $0x2;
	s16 =	sor.u32 $0x50, s13  }
0xa: {  	s25 =	sadd.s32 $0xA0, s13;
	s17 =	sadd.s32 $0xF0, s13;
	s18 =	sadd.s32 $0x140, s13  }
0xb: {  	s7 =	sadd.s32 s5, s0;
	s0 =	sadd.s32 s19, s0;
	s2 =	ssub.s32 s2, s20  }
0xc: {  	s24 =	sshll.u32 s16, $0x7;
	s10 =	sshll.u32 s25, $0x7;
	s11 =	sshll.u32 s17, $0x7  }
0xd: {  	s12 =	sshll.u32 s18, $0x7;
	s19 =	sadd.s32 $0x190, s13;
	s20 =	sadd.s32 $0x1E0, s13  }
0xe: {  	s21 =	sadd.s32 $0x11400, s7;
	s6 =	sadd.s32 $0x1400, s7;
	s0 =	sadd.s32 $0x21400, s0  }
0xf: {  	s7 =	sadd.s32 s23, s3;
	s8 =	smax.u32 s2, $0x1;
	s9 =	sadd.s32 s24, s3  }
0x10: {  	s10 =	sadd.s32 s10, s3;
	s11 =	sadd.s32 s11, s3;
	s12 =	sadd.s32 s12, s3  }
0x11: {  	s14 =	sshll.u32 s19, $0x7;
	s15 =	sshll.u32 s20, $0x7;
	s23 =	sshll.u32 s16, $0x4  }
0x12: {  	s2 =	sshll.u32 s25, $0x4;
	s24 =	sshll.u32 s17, $0x4;
	s25 =	sshll.u32 s18, $0x4  }
0x13: {  	s28 =	sshll.u32 s20, $0x4;
	[dreg:$0x4] =	wrdreg s21;
	s21 =	sadd.s32 $0x230, s13  }
0x14: {  	s13 =	sadd.s32 s14, s3;
	s14 =	sadd.s32 s15, s3;
	s17 =	sadd.s32 s22, s0  }
0x15: {  	s18 =	sadd.s32 s23, s0;
	s20 =	sadd.s32 s24, s0;
	s23 =	sadd.s32 s28, s0  }
0x16: {  	s28 =	simm.s32 $0x1;
	s26 =	sshll.u32 s21, $0x7;
	s29 =	sshll.u32 s21, $0x4  }
0x17: {  	s21 =	sadd.s32 s25, s0;
	s25 =	simm.s32 $0x8000;
	s15 =	sadd.s32 s26, s3  }
0x18: {  	s26 =	sshll.u32 s19, $0x4;
	s19 =	sadd.s32 s2, s0;
	s24 =	sadd.s32 s29, s0  }
0x19: {  	v0 =	vimm.f32 $0.0e+00;
	s29 =	simm.s32 $0x2;
	s22 =	sadd.s32 s26, s0;
	s26 =	simm.s32 $0x3  }
.LBB2_1:
0x1a: {  	s0 =	rddreg [dreg:$0x4]  }
0x1b: {  	[tilespmem:s4], [sflag:$0x1] =	stream.linear.gather [hbm4b:s0+s4], $0x3E80, $0x38;
	[tilespmem:$0x1E800] =	vst v63  }
0x1c: {  	s16 =	simm.s32 $0x4000;
	s2 =	simm.s32 $0x3C0;
	s0 =	simm.s32 $0x70  }
0x1d: {  	[tilespmem:s16], [sflag:$0x2] =	stream.linear.gather [hbm4b:s6+s4], $0x3E80, $0x38;
	[tilespmem:$0x1E800] =	vst v63  }
.LBB2_2:
0x1e: {  	p0 =	sne.s32 s2, $0x9FC0;
	[tilespmem:s0+$0x8000] =	vst v0  }
0x1f: {  	[tilespmem:s0+$0x7F90] =	vst v0  }
0x20: {  	[tilespmem:s0+$0x7FA0] =	vst v0  }
.Ltmp0:
0x21: {  	[tilespmem:s0+$0x7FB0] =	vst v0;
	(pc) =	sbr.rel @p0 .LBB2_2-.Ltmp0, $4  }
0x22: {  	[tilespmem:s0+$0x7FC0] =	vst v0  }
0x23: {  	[tilespmem:s0+$0x7FD0] =	vst v0  }
0x24: {  	[tilespmem:s0+$0x7FE0] =	vst v0  }
0x25: {  	[tilespmem:s0+$0x7FF0] =	vst v0;
	s0 =	sshra.s32 s2, $0x2;
	s2 =	sadd.s32 $0x200, s2  }
0x26: {  	[tilespmem:s0+$0x8000] =	vst v0  }
0x27: {  	[tilespmem:s0+$0x7F90] =	vst v0  }
0x28: {  	[tilespmem:s0+$0x7FA0] =	vst v0  }
0x29: {  	[tilespmem:s0+$0x7FB0] =	vst v0  }
0x2a: {  	[tilespmem:s0+$0x7FC0] =	vst v0  }
0x2b: {  	[tilespmem:s0+$0x7FD0] =	vst v0  }
0x2c: {  	[tilespmem:s0+$0x7FE0] =	vst v0  }
0x2d: {  	[tilespmem:s0+$0x7FF0] =	vst v0  }
0x2e: {  	[spmem:s7] =	stream.linear.scatter [tilespmem:s25], [sflag:$0x3], $0x2800, $0x38;
	[tilespmem:$0x1E800] =	vst v63  }
0x2f: {  	_ =	swait.ge [sflag:s26], $0x2800  }
0x30: {  	[sflag:s26] =	ssyncset.done $0x0  }
0x31: {  	[sflag:s26] =	ssyncadd.s32 $0xFFFFD800  }
0x32: {  	[spmem:s9] =	stream.linear.scatter [tilespmem:s25], [sflag:$0x3], $0x2800, $0x38;
	[tilespmem:$0x1E800] =	vst v63  }
0x33: {  	_ =	swait.ge [sflag:s26], $0x2800  }
0x34: {  	[sflag:s26] =	ssyncset.done $0x0  }
0x35: {  	[sflag:s26] =	ssyncadd.s32 $0xFFFFD800  }
0x36: {  	[spmem:s10] =	stream.linear.scatter [tilespmem:s25], [sflag:$0x3], $0x2800, $0x38;
	[tilespmem:$0x1E800] =	vst v63  }
0x37: {  	_ =	swait.ge [sflag:s26], $0x2800  }
0x38: {  	[sflag:s26] =	ssyncset.done $0x0  }
0x39: {  	[sflag:s26] =	ssyncadd.s32 $0xFFFFD800  }
0x3a: {  	[spmem:s11] =	stream.linear.scatter [tilespmem:s25], [sflag:$0x3], $0x2800, $0x38;
	[tilespmem:$0x1E800] =	vst v63  }
0x3b: {  	_ =	swait.ge [sflag:s26], $0x2800  }
0x3c: {  	[sflag:s26] =	ssyncset.done $0x0  }
0x3d: {  	[sflag:s26] =	ssyncadd.s32 $0xFFFFD800  }
0x3e: {  	[spmem:s12] =	stream.linear.scatter [tilespmem:s25], [sflag:$0x3], $0x2800, $0x38;
	[tilespmem:$0x1E800] =	vst v63  }
0x3f: {  	_ =	swait.ge [sflag:s26], $0x2800  }
0x40: {  	[sflag:s26] =	ssyncset.done $0x0  }
0x41: {  	[sflag:s26] =	ssyncadd.s32 $0xFFFFD800  }
0x42: {  	[spmem:s13] =	stream.linear.scatter [tilespmem:s25], [sflag:$0x3], $0x2800, $0x38;
	[tilespmem:$0x1E800] =	vst v63  }
0x43: {  	_ =	swait.ge [sflag:s26], $0x2800  }
0x44: {  	[sflag:s26] =	ssyncset.done $0x0  }
0x45: {  	[sflag:s26] =	ssyncadd.s32 $0xFFFFD800  }
0x46: {  	[spmem:s14] =	stream.linear.scatter [tilespmem:s25], [sflag:$0x3], $0x2800, $0x38;
	[tilespmem:$0x1E800] =	vst v63  }
0x47: {  	_ =	swait.ge [sflag:s26], $0x2800  }
0x48: {  	[sflag:s26] =	ssyncset.done $0x0  }
0x49: {  	[sflag:s26] =	ssyncadd.s32 $0xFFFFD800  }
0x4a: {  	[spmem:s15] =	stream.linear.scatter [tilespmem:s25], [sflag:$0x3], $0x2800, $0x38;
	[tilespmem:$0x1E800] =	vst v63  }
0x4b: {  	_ =	swait.ge [sflag:s26], $0x2800  }
0x4c: {  	[sflag:s26] =	ssyncset.done $0x0  }
0x4d: {  	[sflag:s26] =	ssyncadd.s32 $0xFFFFD800  }
0x4e: {  	_ =	swait.ge [sflag:s28], $0x3E80  }
0x4f: {  	[sflag:s28] =	ssyncset.done $0x0  }
0x50: {  	[sflag:s28] =	ssyncadd.s32 $0xFFFFC180  }
0x51: {  	_ =	swait.ge [sflag:s29], $0x3E80  }
0x52: {  	[sflag:s29] =	ssyncset.done $0x0  }
0x53: {  	[sflag:s29] =	ssyncadd.s32 $0xFFFFC180  }
0x54: {  	s5 =	simm.s32 $0x0;
	[bflag:$0x0] =	sbarrier.arrive $0xFFFF  }
0x55: {  	[tilespmem:s25], [sflag:$0x3] =	stream.indirect.gather [hbm4b:s1+s30], $0x80, s5, s30, $0xb8;
	[tilespmem:$0x1E800] =	vst v63  }
0x56: {  	_ =	swait.ge [sflag:s26], $0x2800  }
0x57: {  	[sflag:s26] =	ssyncset.done $0x0  }
0x58: {  	s16 =	simm.s32 $0x4000;
	[sflag:s26] =	ssyncadd.s32 $0xFFFFD800  }
0x59: {  	[spmem:s3] =	stream.indirect.scatter.add.f32 [tilespmem:s25], [sflag:$0x3], $0x80, s16, s30, $0xb8;
	[tilespmem:$0x1E800] =	vst v63  }
0x5a: {  	_ =	swait.ge [sflag:s26], $0x2800  }
0x5b: {  	s0 =	simm.s32 $0x200;
	s2 =	simm.s32 $0x400;
	[sflag:s26] =	ssyncset.done $0x0  }
.LBB2_4:
0x5c: {  	s16 =	sshra.s32 s0, $0x2  }
0x5d: {  	[sflag:s26] =	ssyncadd.s32 $0xFFFFD800;
	s0 =	smov.u32 s2;
	s5 =	sadd.s32 $0x200, s2  }
0x5e: {  	[tilespmem:s25], [sflag:$0x3] =	stream.indirect.gather [hbm4b:s1+s30], $0x80, s16, s30, $0xb8;
	[tilespmem:$0x1E800] =	vst v63  }
0x5f: {  	p0 =	sne.s32 s2, $0xF800;
	_ =	swait.ge [sflag:s26], $0x2800  }
.Ltmp1:
0x60: {  	[sflag:s26] =	ssyncset.done $0x0;
	(pc) =	sbr.rel @p0 .LBB2_4-.Ltmp1, $4  }
0x61: {  	s2 =	sadd.s32 $0x4000, s16;
	[sflag:s26] =	ssyncadd.s32 $0xFFFFD800  }
0x62: {  	[spmem:s3] =	stream.indirect.scatter.add.f32 [tilespmem:s25], [sflag:$0x3], $0x80, s2, s30, $0xb8;
	[tilespmem:$0x1E800] =	vst v63  }
0x63: {  	_ =	swait.ge [sflag:s26], $0x2800  }
0x64: {  	s2 =	smov.u32 s5;
	[sflag:s26] =	ssyncset.done $0x0  }
0x65: {  	s0 =	sshra.s32 s0, $0x2;
	[sflag:s26] =	ssyncadd.s32 $0xFFFFD800  }
0x66: {  	[tilespmem:s25], [sflag:$0x3] =	stream.indirect.gather [hbm4b:s1+s30], $0x80, s0, s30, $0xb8;
	[tilespmem:$0x1E800] =	vst v63  }
0x67: {  	_ =	swait.ge [sflag:s26], $0x2800  }
0x68: {  	[sflag:s26] =	ssyncset.done $0x0  }
0x69: {  	s0 =	sadd.s32 $0x4000, s0;
	[sflag:s26] =	ssyncadd.s32 $0xFFFFD800  }
0x6a: {  	[spmem:s3] =	stream.indirect.scatter.add.f32 [tilespmem:s25], [sflag:$0x3], $0x80, s0, s30, $0xb8;
	[tilespmem:$0x1E800] =	vst v63  }
0x6b: {  	_ =	swait.ge [sflag:s26], $0x2800  }
0x6c: {  	[sflag:s26] =	ssyncset.done $0x0  }
0x6d: {  	[sflag:s26] =	ssyncadd.s32 $0xFFFFD800  }
0x6e: {  	[bflag:$0x0] =	sbarrier.arrive $0xFFFF  }
0x6f: {  	[tilespmem:s25], [sflag:$0x3] =	stream.linear.gather [spmem:s7], $0x2800, $0x38;
	[tilespmem:$0x1E800] =	vst v63  }
0x70: {  	_ =	swait.ge [sflag:s26], $0x2800  }
0x71: {  	[sflag:s26] =	ssyncset.done $0x0  }
0x72: {  	[sflag:s26] =	ssyncadd.s32 $0xFFFFD800  }
0x73: {  	[hbm4b:s17+s4] =	stream.linear.scatter [tilespmem:s25], [sflag:$0x3], $0x2800, $0x38;
	[tilespmem:$0x1E800] =	vst v63  }
0x74: {  	_ =	swait.ge [sflag:s26], $0x2800  }
0x75: {  	[sflag:s26] =	ssyncset.done $0x0  }
0x76: {  	[sflag:s26] =	ssyncadd.s32 $0xFFFFD800  }
0x77: {  	[tilespmem:s25], [sflag:$0x3] =	stream.linear.gather [spmem:s9], $0x2800, $0x38;
	[tilespmem:$0x1E800] =	vst v63  }
0x78: {  	_ =	swait.ge [sflag:s26], $0x2800  }
0x79: {  	[sflag:s26] =	ssyncset.done $0x0  }
0x7a: {  	[sflag:s26] =	ssyncadd.s32 $0xFFFFD800  }
0x7b: {  	[hbm4b:s18+s4] =	stream.linear.scatter [tilespmem:s25], [sflag:$0x3], $0x2800, $0x38;
	[tilespmem:$0x1E800] =	vst v63  }
0x7c: {  	_ =	swait.ge [sflag:s26], $0x2800  }
0x7d: {  	[sflag:s26] =	ssyncset.done $0x0  }
0x7e: {  	[sflag:s26] =	ssyncadd.s32 $0xFFFFD800  }
0x7f: {  	[tilespmem:s25], [sflag:$0x3] =	stream.linear.gather [spmem:s10], $0x2800, $0x38;
	[tilespmem:$0x1E800] =	vst v63  }
0x80: {  	_ =	swait.ge [sflag:s26], $0x2800  }
0x81: {  	[sflag:s26] =	ssyncset.done $0x0  }
0x82: {  	[sflag:s26] =	ssyncadd.s32 $0xFFFFD800  }
0x83: {  	[hbm4b:s19+s4] =	stream.linear.scatter [tilespmem:s25], [sflag:$0x3], $0x2800, $0x38;
	[tilespmem:$0x1E800] =	vst v63  }
0x84: {  	_ =	swait.ge [sflag:s26], $0x2800  }
0x85: {  	[sflag:s26] =	ssyncset.done $0x0  }
0x86: {  	[sflag:s26] =	ssyncadd.s32 $0xFFFFD800  }
0x87: {  	[tilespmem:s25], [sflag:$0x3] =	stream.linear.gather [spmem:s11], $0x2800, $0x38;
	[tilespmem:$0x1E800] =	vst v63  }
0x88: {  	_ =	swait.ge [sflag:s26], $0x2800  }
0x89: {  	[sflag:s26] =	ssyncset.done $0x0  }
0x8a: {  	[sflag:s26] =	ssyncadd.s32 $0xFFFFD800  }
0x8b: {  	[hbm4b:s20+s4] =	stream.linear.scatter [tilespmem:s25], [sflag:$0x3], $0x2800, $0x38;
	[tilespmem:$0x1E800] =	vst v63  }
0x8c: {  	_ =	swait.ge [sflag:s26], $0x2800  }
0x8d: {  	[sflag:s26] =	ssyncset.done $0x0  }
0x8e: {  	[sflag:s26] =	ssyncadd.s32 $0xFFFFD800  }
0x8f: {  	[tilespmem:s25], [sflag:$0x3] =	stream.linear.gather [spmem:s12], $0x2800, $0x38;
	[tilespmem:$0x1E800] =	vst v63  }
0x90: {  	_ =	swait.ge [sflag:s26], $0x2800  }
0x91: {  	[sflag:s26] =	ssyncset.done $0x0  }
0x92: {  	[sflag:s26] =	ssyncadd.s32 $0xFFFFD800  }
0x93: {  	[hbm4b:s21+s4] =	stream.linear.scatter [tilespmem:s25], [sflag:$0x3], $0x2800, $0x38;
	[tilespmem:$0x1E800] =	vst v63  }
0x94: {  	_ =	swait.ge [sflag:s26], $0x2800  }
0x95: {  	[sflag:s26] =	ssyncset.done $0x0  }
0x96: {  	[sflag:s26] =	ssyncadd.s32 $0xFFFFD800  }
0x97: {  	[tilespmem:s25], [sflag:$0x3] =	stream.linear.gather [spmem:s13], $0x2800, $0x38;
	[tilespmem:$0x1E800] =	vst v63  }
0x98: {  	_ =	swait.ge [sflag:s26], $0x2800  }
0x99: {  	[sflag:s26] =	ssyncset.done $0x0  }
0x9a: {  	[sflag:s26] =	ssyncadd.s32 $0xFFFFD800  }
0x9b: {  	[hbm4b:s22+s4] =	stream.linear.scatter [tilespmem:s25], [sflag:$0x3], $0x2800, $0x38;
	[tilespmem:$0x1E800] =	vst v63  }
0x9c: {  	_ =	swait.ge [sflag:s26], $0x2800  }
0x9d: {  	[sflag:s26] =	ssyncset.done $0x0  }
0x9e: {  	[sflag:s26] =	ssyncadd.s32 $0xFFFFD800  }
0x9f: {  	[tilespmem:s25], [sflag:$0x3] =	stream.linear.gather [spmem:s14], $0x2800, $0x38;
	[tilespmem:$0x1E800] =	vst v63  }
0xa0: {  	_ =	swait.ge [sflag:s26], $0x2800  }
0xa1: {  	[sflag:s26] =	ssyncset.done $0x0  }
0xa2: {  	[sflag:s26] =	ssyncadd.s32 $0xFFFFD800  }
0xa3: {  	[hbm4b:s23+s4] =	stream.linear.scatter [tilespmem:s25], [sflag:$0x3], $0x2800, $0x38;
	[tilespmem:$0x1E800] =	vst v63  }
0xa4: {  	_ =	swait.ge [sflag:s26], $0x2800  }
0xa5: {  	[sflag:s26] =	ssyncset.done $0x0  }
0xa6: {  	[sflag:s26] =	ssyncadd.s32 $0xFFFFD800  }
0xa7: {  	[tilespmem:s25], [sflag:$0x3] =	stream.linear.gather [spmem:s15], $0x2800, $0x38;
	[tilespmem:$0x1E800] =	vst v63  }
0xa8: {  	s31 =	sadd.s32 $0x1, s31;
	_ =	swait.ge [sflag:s26], $0x2800  }
0xa9: {  	p0 =	sne.s32 s31, s8;
	[sflag:s26] =	ssyncset.done $0x0  }
.Ltmp2:
0xaa: {  	[sflag:s26] =	ssyncadd.s32 $0xFFFFD800;
	(pc) =	sbr.rel @p0 .LBB2_1-.Ltmp2, $4  }
0xab: {  	[hbm4b:s24+s4] =	stream.linear.scatter [tilespmem:s25], [sflag:$0x3], $0x2800, $0x38;
	[tilespmem:$0x1E800] =	vst v63  }
0xac: {  	_ =	swait.ge [sflag:s26], $0x2800  }
0xad: {  	[sflag:s26] =	ssyncset.done $0x0  }
0xae: {  	[sflag:s26] =	ssyncadd.s32 $0xFFFFD800  }
0xaf: {  	_ =	sfence.sel $0x180000  }
0xb0: {  	[bflag:$0x0] =	sbarrier.arrive $0xFFFF  }
0xb1: {  	_ =	strace $0x9000004A  }
0xb2: {  	s0 =	stileid.u32;
	[bflag:$0x2] =	sbarrier.arrive $0xFFFF  }
0xb3: {  	p0 =	sne.s32 s0, $0x0;
	s0 =	rddreg [dreg:$0x3]  }
0xb4: {  	s0 =	sadd.s32 @!p0 $0x100000, s0  }
0xb5: {  	[sflag:s0] =	ssyncadd.tile.s32 @!p0 $0x1;
	_ =	shalt  }
.Lfunc_end2:
_tile_overlayer_lowered:
.L_overlay_start_2:
0xb6: {  	(tag) =	ssettag $0x2  }
0xb7: {  	s0 =	rddreg [dreg:$0x0];
	s2 =	stileid.u32  }
0xb8: {  	s1 =	rddreg [dreg:$0x1];
	p0 =	sne.s32 s2, $0x0  }
0xb9: {  	s3 =	rddreg [dreg:$0x2];
	[bflag:$0x3] =	sbarrier.arrive $0xFFFF;
	s2 =	simm.s32 @!p0 $0x1C03  }
0xba: {  	[timem:s3], [sflag:s2] =	dma.local @!p0 [hbm:s0], s1  }
0xbb: {  	s0 =	simm.s32 @!p0 $0x3  }
0xbc: {  	_ =	swait.ge @!p0 [sflag:s0], s1  }
0xbd: {  	s1 =	ssub.s32 @!p0 $0x0, s1;
	[sflag:s0] =	ssyncset.done @!p0 $0x0  }
0xbe: {  	[sflag:s0] =	ssyncadd.s32 @!p0 s1  }
0xbf: {  	[bflag:$0x3] =	sbarrier.arrive $0xFFFF  }
0xc0: {  	_ =	shalt  }

</sc_bundles>
